<compile_context>
chip_gen: v7x
topology: tpu7x:2x2x1
jax: 0.10.2.dev20260603
libtpu: 0.0.44.dev20260713+nightly
codegen_flags: <defaults>
</compile_context>

<pallas_src>
import functools

import jax
import jax.numpy as jnp
from jax.experimental import pallas as pl
from jax.experimental.pallas import tpu as pltpu
from jax.experimental.pallas import tpu_sc as plsc

_H = 2048
_D = 512
_NH = 16
_TPAD = 2 * _H
_NBANK = 8
_NTILES = 32
_FIRE = 8


def _mlp_banks_kernel(c_ref, w0_ref, b0_ref, w1t_ref, o_ref):
    r = jnp.maximum(w0_ref[...] * c_ref[...] + b0_ref[...], 0.0)
    t = jax.lax.dot_general(
        w1t_ref[...], r, (((1,), (0,)), ((), ())),
        preferred_element_type=jnp.float32,
        precision=jax.lax.Precision.HIGHEST,
    )
    t = 16.0 * jax.nn.sigmoid(t)
    for b in range(_NBANK):
        o_ref[b] = pltpu.roll(t, (_TPAD - b) % _TPAD, axis=1)


def _sc_expand(banks_hbm, out_hbm, banks_sp, sem_row):
    c = jax.lax.axis_index("c")
    s = jax.lax.axis_index("s")
    wid = s * 2 + c

    @pl.when(s == 0)
    def _stage_banks():
        pltpu.sync_copy(banks_hbm, banks_sp)

    plsc.subcore_barrier()

    rows_per_tile = (_NH * _H) // _NTILES

    def body(g, carry):
        descs = []
        for j in range(_FIRE):
            row = wid * rows_per_tile + g * _FIRE + j
            n = row // _H
            i = row % _H
            start = (_H - 1) - i
            b = start % _NBANK
            a = pl.multiple_of(start - b, 8)
            descs.append(pltpu.async_copy(
                banks_sp.at[b, n, pl.ds(a, _H)],
                out_hbm.at[n, i], sem_row))
        for d in descs:
            d.wait()
        return carry

    jax.lax.fori_loop(0, rows_per_tile // _FIRE, body, 0)


def kernel(h, h2, bc, W0, b0, W1):
    f32 = jnp.float32
    coords_open = jnp.arange(-(_H - 1), _H, dtype=f32) / (h - 1)
    periodic_parts = jnp.concatenate([
        jnp.arange(1, _H // 2 + 1, dtype=f32),
        jnp.arange(-(_H // 2 - 1), _H // 2 + 1, dtype=f32),
        jnp.arange(-(_H // 2 - 1), 0, dtype=f32),
    ]) / (h - 1)
    pad_len = 2 * _H - 1 - periodic_parts.shape[0]
    coords_periodic = jnp.concatenate(
        [periodic_parts, jnp.zeros(pad_len, dtype=f32)])
    rel = jnp.where(bc == 1, coords_periodic, coords_open)
    c_pad = jnp.concatenate([rel, jnp.zeros(1, dtype=f32)]).reshape(1, _TPAD)

    w0c = W0.reshape(1, _D).T
    b0c = b0.reshape(_D, 1)
    w1t = W1.reshape(_D, _NH).T

    banks = pl.pallas_call(
        _mlp_banks_kernel,
        in_specs=[
            pl.BlockSpec((1, _TPAD), lambda: (0, 0)),
            pl.BlockSpec((_D, 1), lambda: (0, 0)),
            pl.BlockSpec((_D, 1), lambda: (0, 0)),
            pl.BlockSpec((_NH, _D), lambda: (0, 0)),
        ],
        out_specs=pl.BlockSpec((_NBANK, _NH, _TPAD), lambda: (0, 0, 0)),
        out_shape=jax.ShapeDtypeStruct((_NBANK, _NH, _TPAD), f32),
    )(c_pad, w0c, b0c, w1t)

    expand = functools.partial(
        pl.kernel,
        out_type=jax.ShapeDtypeStruct((_NH, _H, _H), f32),
        mesh=plsc.VectorSubcoreMesh(core_axis_name="c", subcore_axis_name="s"),
        compiler_params=pltpu.CompilerParams(use_tc_tiling_on_sc=False),
        scratch_types=[
            pltpu.VMEM_SHARED((_NBANK, _NH, _TPAD), f32),
            pltpu.SemaphoreType.DMA,
        ],
    )(_sc_expand)
    out = expand(banks)
    return out[None]

# --- scband reference (transcript-rebuilt; emitter-appended) ---
"""Pipeline reference for scband-continuous-position-bias1-d-72885595013391 (READ-ONLY COPY).

The authoritative reference and input builder live on the scoring server;
editing this copy changes nothing except your own understanding.
"""

import jax, jax.numpy as jnp
import numpy as np


def setup_inputs(seed: int = 0) -> dict:
    key = jax.random.key(seed)
    k0, k1 = jax.random.split(key, 2)
    # cpb_mlp_0: Dense(512, use_bias=True) applied to input dim 1 -> kernel (1, 512), bias (512,)
    W0 = jax.random.normal(k0, (1, 512), dtype=jnp.float32) * 0.02
    b0 = jnp.zeros((512,), dtype=jnp.float32)
    # cpb_mlp_2: Dense(n_heads=16, use_bias=False) -> kernel (512, 16)
    W1 = jax.random.normal(k1, (512, 16), dtype=jnp.float32) * 0.02
    return {"h": 2048, "h2": 2048, "bc": 0, "W0": W0, "b0": b0, "W1": W1}


def reference(h, h2, bc, W0, b0, W1):
    H = 2048
    coords_open = jnp.arange(-(H - 1), H, dtype=jnp.float32) / (h - 1)
    periodic_parts = jnp.concatenate([
        jnp.arange(1, H // 2 + 1, dtype=jnp.float32),
        jnp.arange(-(H // 2 - 1), H // 2 + 1, dtype=jnp.float32),
        jnp.arange(-(H // 2 - 1), 0, dtype=jnp.float32),
    ]) / (h - 1)
    pad_len = 2 * H - 1 - periodic_parts.shape[0]
    coords_periodic = jnp.concatenate([periodic_parts, jnp.zeros(pad_len, dtype=jnp.float32)])
    is_periodic = bc == 1
    relative_coords = jnp.where(is_periodic, coords_periodic, coords_open)
    coords = jnp.arange(H, dtype=jnp.float32)
    coords = coords[None, :] - coords[:, None]
    coords = coords + (h - 1)
    x = relative_coords[:, None]
    x = x @ W0 + b0
    x = jax.nn.relu(x)
    x = x @ W1
    rel_pos_model = 16.0 * jax.nn.sigmoid(x.squeeze())
    biases = rel_pos_model[coords.astype(jnp.int32)]
    return biases.transpose(2, 0, 1)[None, :, :, :]

if __name__ == "__main__":
    import jax
    _d = setup_inputs()
    print(jax.jit(kernel)(*tuple(_d.values())))

</pallas_src>

<mosaic_0001>
#map = affine_map<(d0, d1) -> (0, 0, 0)>
module attributes {stable_mosaic.version = 14 : i64} {
  func.func @_sc_expand(%arg0: i32, %arg1: i32, %arg2: memref<8x16x4096xf32, #tpu.memory_space<hbm>>, %arg3: memref<16x2048x2048xf32, #tpu.memory_space<hbm>>, %arg4: memref<8x16x4096xf32, #tpu.memory_space<vmem_shared>>, %arg5: memref<!tpu.dma_semaphore, #tpu.memory_space<semaphore_mem>>) attributes {dimension_semantics = [#tpu.dimension_semantics<core_parallel>, #tpu.dimension_semantics<subcore_parallel>], iteration_bounds = array<i64: 2, 16>, scalar_prefetch = 0 : i64, scratch_operands = 2 : i64, tpu.core_type = #tpu.core_type<sc_vector_subcore>, window_params = [{transform_indices = #map}, {transform_indices = #map}]} {
    %mul3A = arith.constant 2 : i32
    %mul3A_0 = arith.muli %arg1, %mul3A : i32
    %add3A = arith.addi %mul3A_0, %arg0 : i32
    %eq3A = arith.constant 0 : i32
    %eq3A_1 = arith.cmpi eq, %arg1, %eq3A : i32
    %convert_element_type3A = arith.extui %eq3A_1 : i1 to i32
    %cond3A = arith.constant 0 : i32
    %cond3A_2 = arith.cmpi ne, %convert_element_type3A, %cond3A : i32
    scf.if %cond3A_2 {
      "tpu.region"() ({
        %run_scoped3A = tpu.sem_alloc : memref<!tpu.dma_semaphore, #tpu.memory_space<semaphore_mem>>
        tpu.enqueue_dma source(%arg2 : memref<8x16x4096xf32, #tpu.memory_space<hbm>>) target(%arg4 : memref<8x16x4096xf32, #tpu.memory_space<vmem_shared>>) target_semaphore(%run_scoped3A : memref<!tpu.dma_semaphore, #tpu.memory_space<semaphore_mem>>)
        tpu.wait_dma2 semaphore(%run_scoped3A : memref<!tpu.dma_semaphore, #tpu.memory_space<semaphore_mem>>) src(%arg2 : memref<8x16x4096xf32, #tpu.memory_space<hbm>>) dst(%arg4 : memref<8x16x4096xf32, #tpu.memory_space<vmem_shared>>)
        tpu.yield
      }) : () -> ()
    } else {
    }
    %barrier3A = arith.constant 0 : index
    tpu.barrier barrier_id(%barrier3A)
    %scan3A = arith.constant 0 : i32
    %scan3A_3 = arith.constant 0 : i32
    %scan3A_4 = arith.constant 128 : i32
    %scan3A_5 = arith.addi %scan3A_3, %scan3A_4 : i32
    %scan3A_6 = arith.constant 1 : i32
    scf.for %scan3A_8 = %scan3A_3 to %scan3A_5 step %scan3A_6  : i32 {
      %mul3A_9 = arith.constant 1024 : i32
      %mul3A_10 = arith.muli %add3A, %mul3A_9 : i32
      %mul3A_11 = arith.constant 8 : i32
      %mul3A_12 = arith.muli %scan3A_8, %mul3A_11 : i32
      %add3A_13 = arith.addi %mul3A_10, %mul3A_12 : i32
      %add3A_14 = arith.constant 0 : i32
      %add3A_15 = arith.addi %add3A_13, %add3A_14 : i32
      %jit3A = arith.constant 2048 : i32
      %div3A = arith.divsi %add3A_15, %jit3A : i32
      %sign3A = arith.constant 0 : i32
      %sign3A_16 = arith.cmpi sgt, %add3A_15, %sign3A : i32
      %sign3A_17 = arith.extui %sign3A_16 : i1 to i32
      %sign3A_18 = arith.constant 0 : i32
      %sign3A_19 = arith.cmpi slt, %add3A_15, %sign3A_18 : i32
      %sign3A_20 = arith.extui %sign3A_19 : i1 to i32
      %sign3A_21 = arith.subi %sign3A_17, %sign3A_20 : i32
      %sign3A_22 = arith.constant 0 : i32
      %sign3A_23 = arith.cmpi sgt, %jit3A, %sign3A_22 : i32
      %sign3A_24 = arith.extui %sign3A_23 : i1 to i32
      %sign3A_25 = arith.constant 0 : i32
      %sign3A_26 = arith.cmpi slt, %jit3A, %sign3A_25 : i32
      %sign3A_27 = arith.extui %sign3A_26 : i1 to i32
      %sign3A_28 = arith.subi %sign3A_24, %sign3A_27 : i32
      %ne3A = arith.cmpi ne, %sign3A_21, %sign3A_28 : i32
      %rem3A = arith.remsi %add3A_15, %jit3A : i32
      %ne3A_29 = arith.constant 0 : i32
      %ne3A_30 = arith.cmpi ne, %rem3A, %ne3A_29 : i32
      %and3A = arith.andi %ne3A, %ne3A_30 : i1
      %sub3A = arith.constant 1 : i32
      %sub3A_31 = arith.subi %div3A, %sub3A : i32
      %select_n3A = arith.select %and3A, %sub3A_31, %div3A : i32
      %jit3A_32 = arith.constant 2048 : i32
      %eq3A_33 = arith.constant 0 : i32
      %eq3A_34 = arith.cmpi eq, %jit3A_32, %eq3A_33 : i32
      %jit3A_35 = arith.constant 1 : i32
      %select_n3A_36 = arith.select %eq3A_34, %jit3A_35, %jit3A_32 : i32
      %rem3A_37 = arith.remsi %add3A_15, %select_n3A_36 : i32
      %ne3A_38 = arith.constant 0 : i32
      %ne3A_39 = arith.cmpi ne, %rem3A_37, %ne3A_38 : i32
      %lt3A = arith.constant 0 : i32
      %lt3A_40 = arith.cmpi slt, %rem3A_37, %lt3A : i32
      %lt3A_41 = arith.constant 0 : i32
      %lt3A_42 = arith.cmpi slt, %select_n3A_36, %lt3A_41 : i32
      %ne3A_43 = arith.xori %lt3A_40, %lt3A_42 : i1
      %and3A_44 = arith.andi %ne3A_43, %ne3A_39 : i1
      %add3A_45 = arith.addi %rem3A_37, %select_n3A_36 : i32
      %select_n3A_46 = arith.select %and3A_44, %add3A_45, %rem3A_37 : i32
      %sub3A_47 = arith.constant 2047 : i32
      %sub3A_48 = arith.subi %sub3A_47, %select_n3A_46 : i32
      %jit3A_49 = arith.constant 8 : i32
      %eq3A_50 = arith.constant 0 : i32
      %eq3A_51 = arith.cmpi eq, %jit3A_49, %eq3A_50 : i32
      %jit3A_52 = arith.constant 1 : i32
      %select_n3A_53 = arith.select %eq3A_51, %jit3A_52, %jit3A_49 : i32
      %rem3A_54 = arith.remsi %sub3A_48, %select_n3A_53 : i32
      %ne3A_55 = arith.constant 0 : i32
      %ne3A_56 = arith.cmpi ne, %rem3A_54, %ne3A_55 : i32
      %lt3A_57 = arith.constant 0 : i32
      %lt3A_58 = arith.cmpi slt, %rem3A_54, %lt3A_57 : i32
      %lt3A_59 = arith.constant 0 : i32
      %lt3A_60 = arith.cmpi slt, %select_n3A_53, %lt3A_59 : i32
      %ne3A_61 = arith.xori %lt3A_58, %lt3A_60 : i1
      %and3A_62 = arith.andi %ne3A_61, %ne3A_56 : i1
      %add3A_63 = arith.addi %rem3A_54, %select_n3A_53 : i32
      %select_n3A_64 = arith.select %and3A_62, %add3A_63, %rem3A_54 : i32
      %sub3A_65 = arith.subi %sub3A_48, %select_n3A_64 : i32
      %multiple_of3A = tpu.assume_multiple %sub3A_65, 8 : i32
      %dma_start3A = arith.constant 0 : i32
      %dma_start3A_66 = tpu.memref_slice %arg3[%select_n3A, %select_n3A_46, %dma_start3A] : memref<16x2048x2048xf32, #tpu.memory_space<hbm>> -> memref<1x1x2048xf32, #tpu.memory_space<hbm>>
      %dma_start3A_67 = tpu.memref_squeeze %dma_start3A_66 : memref<1x1x2048xf32, #tpu.memory_space<hbm>> -> memref<2048xf32, #tpu.memory_space<hbm>>
      %dma_start3A_68 = tpu.memref_slice %arg4[%select_n3A_64, %select_n3A, %multiple_of3A] : memref<8x16x4096xf32, #tpu.memory_space<vmem_shared>> -> memref<1x1x2048xf32, #tpu.memory_space<vmem_shared>>
      %dma_start3A_69 = tpu.memref_squeeze %dma_start3A_68 : memref<1x1x2048xf32, #tpu.memory_space<vmem_shared>> -> memref<2048xf32, #tpu.memory_space<vmem_shared>>
      tpu.enqueue_dma source(%dma_start3A_69 : memref<2048xf32, #tpu.memory_space<vmem_shared>>) target(%dma_start3A_67 : memref<2048xf32, #tpu.memory_space<hbm>>) target_semaphore(%arg5 : memref<!tpu.dma_semaphore, #tpu.memory_space<semaphore_mem>>)
      %mul3A_70 = arith.constant 1024 : i32
      %mul3A_71 = arith.muli %add3A, %mul3A_70 : i32
      %mul3A_72 = arith.constant 8 : i32
      %mul3A_73 = arith.muli %scan3A_8, %mul3A_72 : i32
      %add3A_74 = arith.addi %mul3A_71, %mul3A_73 : i32
      %add3A_75 = arith.constant 1 : i32
      %add3A_76 = arith.addi %add3A_74, %add3A_75 : i32
      %jit3A_77 = arith.constant 2048 : i32
      %div3A_78 = arith.divsi %add3A_76, %jit3A_77 : i32
      %sign3A_79 = arith.constant 0 : i32
      %sign3A_80 = arith.cmpi sgt, %add3A_76, %sign3A_79 : i32
      %sign3A_81 = arith.extui %sign3A_80 : i1 to i32
      %sign3A_82 = arith.constant 0 : i32
      %sign3A_83 = arith.cmpi slt, %add3A_76, %sign3A_82 : i32
      %sign3A_84 = arith.extui %sign3A_83 : i1 to i32
      %sign3A_85 = arith.subi %sign3A_81, %sign3A_84 : i32
      %sign3A_86 = arith.constant 0 : i32
      %sign3A_87 = arith.cmpi sgt, %jit3A_77, %sign3A_86 : i32
      %sign3A_88 = arith.extui %sign3A_87 : i1 to i32
      %sign3A_89 = arith.constant 0 : i32
      %sign3A_90 = arith.cmpi slt, %jit3A_77, %sign3A_89 : i32
      %sign3A_91 = arith.extui %sign3A_90 : i1 to i32
      %sign3A_92 = arith.subi %sign3A_88, %sign3A_91 : i32
      %ne3A_93 = arith.cmpi ne, %sign3A_85, %sign3A_92 : i32
      %rem3A_94 = arith.remsi %add3A_76, %jit3A_77 : i32
      %ne3A_95 = arith.constant 0 : i32
      %ne3A_96 = arith.cmpi ne, %rem3A_94, %ne3A_95 : i32
      %and3A_97 = arith.andi %ne3A_93, %ne3A_96 : i1
      %sub3A_98 = arith.constant 1 : i32
      %sub3A_99 = arith.subi %div3A_78, %sub3A_98 : i32
      %select_n3A_100 = arith.select %and3A_97, %sub3A_99, %div3A_78 : i32
      %jit3A_101 = arith.constant 2048 : i32
      %eq3A_102 = arith.constant 0 : i32
      %eq3A_103 = arith.cmpi eq, %jit3A_101, %eq3A_102 : i32
      %jit3A_104 = arith.constant 1 : i32
      %select_n3A_105 = arith.select %eq3A_103, %jit3A_104, %jit3A_101 : i32
      %rem3A_106 = arith.remsi %add3A_76, %select_n3A_105 : i32
      %ne3A_107 = arith.constant 0 : i32
      %ne3A_108 = arith.cmpi ne, %rem3A_106, %ne3A_107 : i32
      %lt3A_109 = arith.constant 0 : i32
      %lt3A_110 = arith.cmpi slt, %rem3A_106, %lt3A_109 : i32
      %lt3A_111 = arith.constant 0 : i32
      %lt3A_112 = arith.cmpi slt, %select_n3A_105, %lt3A_111 : i32
      %ne3A_113 = arith.xori %lt3A_110, %lt3A_112 : i1
      %and3A_114 = arith.andi %ne3A_113, %ne3A_108 : i1
      %add3A_115 = arith.addi %rem3A_106, %select_n3A_105 : i32
      %select_n3A_116 = arith.select %and3A_114, %add3A_115, %rem3A_106 : i32
      %sub3A_117 = arith.constant 2047 : i32
      %sub3A_118 = arith.subi %sub3A_117, %select_n3A_116 : i32
      %jit3A_119 = arith.constant 8 : i32
      %eq3A_120 = arith.constant 0 : i32
      %eq3A_121 = arith.cmpi eq, %jit3A_119, %eq3A_120 : i32
      %jit3A_122 = arith.constant 1 : i32
      %select_n3A_123 = arith.select %eq3A_121, %jit3A_122, %jit3A_119 : i32
      %rem3A_124 = arith.remsi %sub3A_118, %select_n3A_123 : i32
      %ne3A_125 = arith.constant 0 : i32
      %ne3A_126 = arith.cmpi ne, %rem3A_124, %ne3A_125 : i32
      %lt3A_127 = arith.constant 0 : i32
      %lt3A_128 = arith.cmpi slt, %rem3A_124, %lt3A_127 : i32
      %lt3A_129 = arith.constant 0 : i32
      %lt3A_130 = arith.cmpi slt, %select_n3A_123, %lt3A_129 : i32
      %ne3A_131 = arith.xori %lt3A_128, %lt3A_130 : i1
      %and3A_132 = arith.andi %ne3A_131, %ne3A_126 : i1
      %add3A_133 = arith.addi %rem3A_124, %select_n3A_123 : i32
      %select_n3A_134 = arith.select %and3A_132, %add3A_133, %rem3A_124 : i32
      %sub3A_135 = arith.subi %sub3A_118, %select_n3A_134 : i32
      %multiple_of3A_136 = tpu.assume_multiple %sub3A_135, 8 : i32
      %dma_start3A_137 = arith.constant 0 : i32
      %dma_start3A_138 = tpu.memref_slice %arg3[%select_n3A_100, %select_n3A_116, %dma_start3A_137] : memref<16x2048x2048xf32, #tpu.memory_space<hbm>> -> memref<1x1x2048xf32, #tpu.memory_space<hbm>>
      %dma_start3A_139 = tpu.memref_squeeze %dma_start3A_138 : memref<1x1x2048xf32, #tpu.memory_space<hbm>> -> memref<2048xf32, #tpu.memory_space<hbm>>
      %dma_start3A_140 = tpu.memref_slice %arg4[%select_n3A_134, %select_n3A_100, %multiple_of3A_136] : memref<8x16x4096xf32, #tpu.memory_space<vmem_shared>> -> memref<1x1x2048xf32, #tpu.memory_space<vmem_shared>>
      %dma_start3A_141 = tpu.memref_squeeze %dma_start3A_140 : memref<1x1x2048xf32, #tpu.memory_space<vmem_shared>> -> memref<2048xf32, #tpu.memory_space<vmem_shared>>
      tpu.enqueue_dma source(%dma_start3A_141 : memref<2048xf32, #tpu.memory_space<vmem_shared>>) target(%dma_start3A_139 : memref<2048xf32, #tpu.memory_space<hbm>>) target_semaphore(%arg5 : memref<!tpu.dma_semaphore, #tpu.memory_space<semaphore_mem>>)
      %mul3A_142 = arith.constant 1024 : i32
      %mul3A_143 = arith.muli %add3A, %mul3A_142 : i32
      %mul3A_144 = arith.constant 8 : i32
      %mul3A_145 = arith.muli %scan3A_8, %mul3A_144 : i32
      %add3A_146 = arith.addi %mul3A_143, %mul3A_145 : i32
      %add3A_147 = arith.constant 2 : i32
      %add3A_148 = arith.addi %add3A_146, %add3A_147 : i32
      %jit3A_149 = arith.constant 2048 : i32
      %div3A_150 = arith.divsi %add3A_148, %jit3A_149 : i32
      %sign3A_151 = arith.constant 0 : i32
      %sign3A_152 = arith.cmpi sgt, %add3A_148, %sign3A_151 : i32
      %sign3A_153 = arith.extui %sign3A_152 : i1 to i32
      %sign3A_154 = arith.constant 0 : i32
      %sign3A_155 = arith.cmpi slt, %add3A_148, %sign3A_154 : i32
      %sign3A_156 = arith.extui %sign3A_155 : i1 to i32
      %sign3A_157 = arith.subi %sign3A_153, %sign3A_156 : i32
      %sign3A_158 = arith.constant 0 : i32
      %sign3A_159 = arith.cmpi sgt, %jit3A_149, %sign3A_158 : i32
      %sign3A_160 = arith.extui %sign3A_159 : i1 to i32
      %sign3A_161 = arith.constant 0 : i32
      %sign3A_162 = arith.cmpi slt, %jit3A_149, %sign3A_161 : i32
      %sign3A_163 = arith.extui %sign3A_162 : i1 to i32
      %sign3A_164 = arith.subi %sign3A_160, %sign3A_163 : i32
      %ne3A_165 = arith.cmpi ne, %sign3A_157, %sign3A_164 : i32
      %rem3A_166 = arith.remsi %add3A_148, %jit3A_149 : i32
      %ne3A_167 = arith.constant 0 : i32
      %ne3A_168 = arith.cmpi ne, %rem3A_166, %ne3A_167 : i32
      %and3A_169 = arith.andi %ne3A_165, %ne3A_168 : i1
      %sub3A_170 = arith.constant 1 : i32
      %sub3A_171 = arith.subi %div3A_150, %sub3A_170 : i32
      %select_n3A_172 = arith.select %and3A_169, %sub3A_171, %div3A_150 : i32
      %jit3A_173 = arith.constant 2048 : i32
      %eq3A_174 = arith.constant 0 : i32
      %eq3A_175 = arith.cmpi eq, %jit3A_173, %eq3A_174 : i32
      %jit3A_176 = arith.constant 1 : i32
      %select_n3A_177 = arith.select %eq3A_175, %jit3A_176, %jit3A_173 : i32
      %rem3A_178 = arith.remsi %add3A_148, %select_n3A_177 : i32
      %ne3A_179 = arith.constant 0 : i32
      %ne3A_180 = arith.cmpi ne, %rem3A_178, %ne3A_179 : i32
      %lt3A_181 = arith.constant 0 : i32
      %lt3A_182 = arith.cmpi slt, %rem3A_178, %lt3A_181 : i32
      %lt3A_183 = arith.constant 0 : i32
      %lt3A_184 = arith.cmpi slt, %select_n3A_177, %lt3A_183 : i32
      %ne3A_185 = arith.xori %lt3A_182, %lt3A_184 : i1
      %and3A_186 = arith.andi %ne3A_185, %ne3A_180 : i1
      %add3A_187 = arith.addi %rem3A_178, %select_n3A_177 : i32
      %select_n3A_188 = arith.select %and3A_186, %add3A_187, %rem3A_178 : i32
      %sub3A_189 = arith.constant 2047 : i32
      %sub3A_190 = arith.subi %sub3A_189, %select_n3A_188 : i32
      %jit3A_191 = arith.constant 8 : i32
      %eq3A_192 = arith.constant 0 : i32
      %eq3A_193 = arith.cmpi eq, %jit3A_191, %eq3A_192 : i32
      %jit3A_194 = arith.constant 1 : i32
      %select_n3A_195 = arith.select %eq3A_193, %jit3A_194, %jit3A_191 : i32
      %rem3A_196 = arith.remsi %sub3A_190, %select_n3A_195 : i32
      %ne3A_197 = arith.constant 0 : i32
      %ne3A_198 = arith.cmpi ne, %rem3A_196, %ne3A_197 : i32
      %lt3A_199 = arith.constant 0 : i32
      %lt3A_200 = arith.cmpi slt, %rem3A_196, %lt3A_199 : i32
      %lt3A_201 = arith.constant 0 : i32
      %lt3A_202 = arith.cmpi slt, %select_n3A_195, %lt3A_201 : i32
      %ne3A_203 = arith.xori %lt3A_200, %lt3A_202 : i1
      %and3A_204 = arith.andi %ne3A_203, %ne3A_198 : i1
      %add3A_205 = arith.addi %rem3A_196, %select_n3A_195 : i32
      %select_n3A_206 = arith.select %and3A_204, %add3A_205, %rem3A_196 : i32
      %sub3A_207 = arith.subi %sub3A_190, %select_n3A_206 : i32
      %multiple_of3A_208 = tpu.assume_multiple %sub3A_207, 8 : i32
      %dma_start3A_209 = arith.constant 0 : i32
      %dma_start3A_210 = tpu.memref_slice %arg3[%select_n3A_172, %select_n3A_188, %dma_start3A_209] : memref<16x2048x2048xf32, #tpu.memory_space<hbm>> -> memref<1x1x2048xf32, #tpu.memory_space<hbm>>
      %dma_start3A_211 = tpu.memref_squeeze %dma_start3A_210 : memref<1x1x2048xf32, #tpu.memory_space<hbm>> -> memref<2048xf32, #tpu.memory_space<hbm>>
      %dma_start3A_212 = tpu.memref_slice %arg4[%select_n3A_206, %select_n3A_172, %multiple_of3A_208] : memref<8x16x4096xf32, #tpu.memory_space<vmem_shared>> -> memref<1x1x2048xf32, #tpu.memory_space<vmem_shared>>
      %dma_start3A_213 = tpu.memref_squeeze %dma_start3A_212 : memref<1x1x2048xf32, #tpu.memory_space<vmem_shared>> -> memref<2048xf32, #tpu.memory_space<vmem_shared>>
      tpu.enqueue_dma source(%dma_start3A_213 : memref<2048xf32, #tpu.memory_space<vmem_shared>>) target(%dma_start3A_211 : memref<2048xf32, #tpu.memory_space<hbm>>) target_semaphore(%arg5 : memref<!tpu.dma_semaphore, #tpu.memory_space<semaphore_mem>>)
      %mul3A_214 = arith.constant 1024 : i32
      %mul3A_215 = arith.muli %add3A, %mul3A_214 : i32
      %mul3A_216 = arith.constant 8 : i32
      %mul3A_217 = arith.muli %scan3A_8, %mul3A_216 : i32
      %add3A_218 = arith.addi %mul3A_215, %mul3A_217 : i32
      %add3A_219 = arith.constant 3 : i32
      %add3A_220 = arith.addi %add3A_218, %add3A_219 : i32
      %jit3A_221 = arith.constant 2048 : i32
      %div3A_222 = arith.divsi %add3A_220, %jit3A_221 : i32
      %sign3A_223 = arith.constant 0 : i32
      %sign3A_224 = arith.cmpi sgt, %add3A_220, %sign3A_223 : i32
      %sign3A_225 = arith.extui %sign3A_224 : i1 to i32
      %sign3A_226 = arith.constant 0 : i32
      %sign3A_227 = arith.cmpi slt, %add3A_220, %sign3A_226 : i32
      %sign3A_228 = arith.extui %sign3A_227 : i1 to i32
      %sign3A_229 = arith.subi %sign3A_225, %sign3A_228 : i32
      %sign3A_230 = arith.constant 0 : i32
      %sign3A_231 = arith.cmpi sgt, %jit3A_221, %sign3A_230 : i32
      %sign3A_232 = arith.extui %sign3A_231 : i1 to i32
      %sign3A_233 = arith.constant 0 : i32
      %sign3A_234 = arith.cmpi slt, %jit3A_221, %sign3A_233 : i32
      %sign3A_235 = arith.extui %sign3A_234 : i1 to i32
      %sign3A_236 = arith.subi %sign3A_232, %sign3A_235 : i32
      %ne3A_237 = arith.cmpi ne, %sign3A_229, %sign3A_236 : i32
      %rem3A_238 = arith.remsi %add3A_220, %jit3A_221 : i32
      %ne3A_239 = arith.constant 0 : i32
      %ne3A_240 = arith.cmpi ne, %rem3A_238, %ne3A_239 : i32
      %and3A_241 = arith.andi %ne3A_237, %ne3A_240 : i1
      %sub3A_242 = arith.constant 1 : i32
      %sub3A_243 = arith.subi %div3A_222, %sub3A_242 : i32
      %select_n3A_244 = arith.select %and3A_241, %sub3A_243, %div3A_222 : i32
      %jit3A_245 = arith.constant 2048 : i32
      %eq3A_246 = arith.constant 0 : i32
      %eq3A_247 = arith.cmpi eq, %jit3A_245, %eq3A_246 : i32
      %jit3A_248 = arith.constant 1 : i32
      %select_n3A_249 = arith.select %eq3A_247, %jit3A_248, %jit3A_245 : i32
      %rem3A_250 = arith.remsi %add3A_220, %select_n3A_249 : i32
      %ne3A_251 = arith.constant 0 : i32
      %ne3A_252 = arith.cmpi ne, %rem3A_250, %ne3A_251 : i32
      %lt3A_253 = arith.constant 0 : i32
      %lt3A_254 = arith.cmpi slt, %rem3A_250, %lt3A_253 : i32
      %lt3A_255 = arith.constant 0 : i32
      %lt3A_256 = arith.cmpi slt, %select_n3A_249, %lt3A_255 : i32
      %ne3A_257 = arith.xori %lt3A_254, %lt3A_256 : i1
      %and3A_258 = arith.andi %ne3A_257, %ne3A_252 : i1
      %add3A_259 = arith.addi %rem3A_250, %select_n3A_249 : i32
      %select_n3A_260 = arith.select %and3A_258, %add3A_259, %rem3A_250 : i32
      %sub3A_261 = arith.constant 2047 : i32
      %sub3A_262 = arith.subi %sub3A_261, %select_n3A_260 : i32
      %jit3A_263 = arith.constant 8 : i32
      %eq3A_264 = arith.constant 0 : i32
      %eq3A_265 = arith.cmpi eq, %jit3A_263, %eq3A_264 : i32
      %jit3A_266 = arith.constant 1 : i32
      %select_n3A_267 = arith.select %eq3A_265, %jit3A_266, %jit3A_263 : i32
      %rem3A_268 = arith.remsi %sub3A_262, %select_n3A_267 : i32
      %ne3A_269 = arith.constant 0 : i32
      %ne3A_270 = arith.cmpi ne, %rem3A_268, %ne3A_269 : i32
      %lt3A_271 = arith.constant 0 : i32
      %lt3A_272 = arith.cmpi slt, %rem3A_268, %lt3A_271 : i32
      %lt3A_273 = arith.constant 0 : i32
      %lt3A_274 = arith.cmpi slt, %select_n3A_267, %lt3A_273 : i32
      %ne3A_275 = arith.xori %lt3A_272, %lt3A_274 : i1
      %and3A_276 = arith.andi %ne3A_275, %ne3A_270 : i1
      %add3A_277 = arith.addi %rem3A_268, %select_n3A_267 : i32
      %select_n3A_278 = arith.select %and3A_276, %add3A_277, %rem3A_268 : i32
      %sub3A_279 = arith.subi %sub3A_262, %select_n3A_278 : i32
      %multiple_of3A_280 = tpu.assume_multiple %sub3A_279, 8 : i32
      %dma_start3A_281 = arith.constant 0 : i32
      %dma_start3A_282 = tpu.memref_slice %arg3[%select_n3A_244, %select_n3A_260, %dma_start3A_281] : memref<16x2048x2048xf32, #tpu.memory_space<hbm>> -> memref<1x1x2048xf32, #tpu.memory_space<hbm>>
      %dma_start3A_283 = tpu.memref_squeeze %dma_start3A_282 : memref<1x1x2048xf32, #tpu.memory_space<hbm>> -> memref<2048xf32, #tpu.memory_space<hbm>>
      %dma_start3A_284 = tpu.memref_slice %arg4[%select_n3A_278, %select_n3A_244, %multiple_of3A_280] : memref<8x16x4096xf32, #tpu.memory_space<vmem_shared>> -> memref<1x1x2048xf32, #tpu.memory_space<vmem_shared>>
      %dma_start3A_285 = tpu.memref_squeeze %dma_start3A_284 : memref<1x1x2048xf32, #tpu.memory_space<vmem_shared>> -> memref<2048xf32, #tpu.memory_space<vmem_shared>>
      tpu.enqueue_dma source(%dma_start3A_285 : memref<2048xf32, #tpu.memory_space<vmem_shared>>) target(%dma_start3A_283 : memref<2048xf32, #tpu.memory_space<hbm>>) target_semaphore(%arg5 : memref<!tpu.dma_semaphore, #tpu.memory_space<semaphore_mem>>)
      %mul3A_286 = arith.constant 1024 : i32
      %mul3A_287 = arith.muli %add3A, %mul3A_286 : i32
      %mul3A_288 = arith.constant 8 : i32
      %mul3A_289 = arith.muli %scan3A_8, %mul3A_288 : i32
      %add3A_290 = arith.addi %mul3A_287, %mul3A_289 : i32
      %add3A_291 = arith.constant 4 : i32
      %add3A_292 = arith.addi %add3A_290, %add3A_291 : i32
      %jit3A_293 = arith.constant 2048 : i32
      %div3A_294 = arith.divsi %add3A_292, %jit3A_293 : i32
      %sign3A_295 = arith.constant 0 : i32
      %sign3A_296 = arith.cmpi sgt, %add3A_292, %sign3A_295 : i32
      %sign3A_297 = arith.extui %sign3A_296 : i1 to i32
      %sign3A_298 = arith.constant 0 : i32
      %sign3A_299 = arith.cmpi slt, %add3A_292, %sign3A_298 : i32
      %sign3A_300 = arith.extui %sign3A_299 : i1 to i32
      %sign3A_301 = arith.subi %sign3A_297, %sign3A_300 : i32
      %sign3A_302 = arith.constant 0 : i32
      %sign3A_303 = arith.cmpi sgt, %jit3A_293, %sign3A_302 : i32
      %sign3A_304 = arith.extui %sign3A_303 : i1 to i32
      %sign3A_305 = arith.constant 0 : i32
      %sign3A_306 = arith.cmpi slt, %jit3A_293, %sign3A_305 : i32
      %sign3A_307 = arith.extui %sign3A_306 : i1 to i32
      %sign3A_308 = arith.subi %sign3A_304, %sign3A_307 : i32
      %ne3A_309 = arith.cmpi ne, %sign3A_301, %sign3A_308 : i32
      %rem3A_310 = arith.remsi %add3A_292, %jit3A_293 : i32
      %ne3A_311 = arith.constant 0 : i32
      %ne3A_312 = arith.cmpi ne, %rem3A_310, %ne3A_311 : i32
      %and3A_313 = arith.andi %ne3A_309, %ne3A_312 : i1
      %sub3A_314 = arith.constant 1 : i32
      %sub3A_315 = arith.subi %div3A_294, %sub3A_314 : i32
      %select_n3A_316 = arith.select %and3A_313, %sub3A_315, %div3A_294 : i32
      %jit3A_317 = arith.constant 2048 : i32
      %eq3A_318 = arith.constant 0 : i32
      %eq3A_319 = arith.cmpi eq, %jit3A_317, %eq3A_318 : i32
      %jit3A_320 = arith.constant 1 : i32
      %select_n3A_321 = arith.select %eq3A_319, %jit3A_320, %jit3A_317 : i32
      %rem3A_322 = arith.remsi %add3A_292, %select_n3A_321 : i32
      %ne3A_323 = arith.constant 0 : i32
      %ne3A_324 = arith.cmpi ne, %rem3A_322, %ne3A_323 : i32
      %lt3A_325 = arith.constant 0 : i32
      %lt3A_326 = arith.cmpi slt, %rem3A_322, %lt3A_325 : i32
      %lt3A_327 = arith.constant 0 : i32
      %lt3A_328 = arith.cmpi slt, %select_n3A_321, %lt3A_327 : i32
      %ne3A_329 = arith.xori %lt3A_326, %lt3A_328 : i1
      %and3A_330 = arith.andi %ne3A_329, %ne3A_324 : i1
      %add3A_331 = arith.addi %rem3A_322, %select_n3A_321 : i32
      %select_n3A_332 = arith.select %and3A_330, %add3A_331, %rem3A_322 : i32
      %sub3A_333 = arith.constant 2047 : i32
      %sub3A_334 = arith.subi %sub3A_333, %select_n3A_332 : i32
      %jit3A_335 = arith.constant 8 : i32
      %eq3A_336 = arith.constant 0 : i32
      %eq3A_337 = arith.cmpi eq, %jit3A_335, %eq3A_336 : i32
      %jit3A_338 = arith.constant 1 : i32
      %select_n3A_339 = arith.select %eq3A_337, %jit3A_338, %jit3A_335 : i32
      %rem3A_340 = arith.remsi %sub3A_334, %select_n3A_339 : i32
      %ne3A_341 = arith.constant 0 : i32
      %ne3A_342 = arith.cmpi ne, %rem3A_340, %ne3A_341 : i32
      %lt3A_343 = arith.constant 0 : i32
      %lt3A_344 = arith.cmpi slt, %rem3A_340, %lt3A_343 : i32
      %lt3A_345 = arith.constant 0 : i32
      %lt3A_346 = arith.cmpi slt, %select_n3A_339, %lt3A_345 : i32
      %ne3A_347 = arith.xori %lt3A_344, %lt3A_346 : i1
      %and3A_348 = arith.andi %ne3A_347, %ne3A_342 : i1
      %add3A_349 = arith.addi %rem3A_340, %select_n3A_339 : i32
      %select_n3A_350 = arith.select %and3A_348, %add3A_349, %rem3A_340 : i32
      %sub3A_351 = arith.subi %sub3A_334, %select_n3A_350 : i32
      %multiple_of3A_352 = tpu.assume_multiple %sub3A_351, 8 : i32
      %dma_start3A_353 = arith.constant 0 : i32
      %dma_start3A_354 = tpu.memref_slice %arg3[%select_n3A_316, %select_n3A_332, %dma_start3A_353] : memref<16x2048x2048xf32, #tpu.memory_space<hbm>> -> memref<1x1x2048xf32, #tpu.memory_space<hbm>>
      %dma_start3A_355 = tpu.memref_squeeze %dma_start3A_354 : memref<1x1x2048xf32, #tpu.memory_space<hbm>> -> memref<2048xf32, #tpu.memory_space<hbm>>
      %dma_start3A_356 = tpu.memref_slice %arg4[%select_n3A_350, %select_n3A_316, %multiple_of3A_352] : memref<8x16x4096xf32, #tpu.memory_space<vmem_shared>> -> memref<1x1x2048xf32, #tpu.memory_space<vmem_shared>>
      %dma_start3A_357 = tpu.memref_squeeze %dma_start3A_356 : memref<1x1x2048xf32, #tpu.memory_space<vmem_shared>> -> memref<2048xf32, #tpu.memory_space<vmem_shared>>
      tpu.enqueue_dma source(%dma_start3A_357 : memref<2048xf32, #tpu.memory_space<vmem_shared>>) target(%dma_start3A_355 : memref<2048xf32, #tpu.memory_space<hbm>>) target_semaphore(%arg5 : memref<!tpu.dma_semaphore, #tpu.memory_space<semaphore_mem>>)
      %mul3A_358 = arith.constant 1024 : i32
      %mul3A_359 = arith.muli %add3A, %mul3A_358 : i32
      %mul3A_360 = arith.constant 8 : i32
      %mul3A_361 = arith.muli %scan3A_8, %mul3A_360 : i32
      %add3A_362 = arith.addi %mul3A_359, %mul3A_361 : i32
      %add3A_363 = arith.constant 5 : i32
      %add3A_364 = arith.addi %add3A_362, %add3A_363 : i32
      %jit3A_365 = arith.constant 2048 : i32
      %div3A_366 = arith.divsi %add3A_364, %jit3A_365 : i32
      %sign3A_367 = arith.constant 0 : i32
      %sign3A_368 = arith.cmpi sgt, %add3A_364, %sign3A_367 : i32
      %sign3A_369 = arith.extui %sign3A_368 : i1 to i32
      %sign3A_370 = arith.constant 0 : i32
      %sign3A_371 = arith.cmpi slt, %add3A_364, %sign3A_370 : i32
      %sign3A_372 = arith.extui %sign3A_371 : i1 to i32
      %sign3A_373 = arith.subi %sign3A_369, %sign3A_372 : i32
      %sign3A_374 = arith.constant 0 : i32
      %sign3A_375 = arith.cmpi sgt, %jit3A_365, %sign3A_374 : i32
      %sign3A_376 = arith.extui %sign3A_375 : i1 to i32
      %sign3A_377 = arith.constant 0 : i32
      %sign3A_378 = arith.cmpi slt, %jit3A_365, %sign3A_377 : i32
      %sign3A_379 = arith.extui %sign3A_378 : i1 to i32
      %sign3A_380 = arith.subi %sign3A_376, %sign3A_379 : i32
      %ne3A_381 = arith.cmpi ne, %sign3A_373, %sign3A_380 : i32
      %rem3A_382 = arith.remsi %add3A_364, %jit3A_365 : i32
      %ne3A_383 = arith.constant 0 : i32
      %ne3A_384 = arith.cmpi ne, %rem3A_382, %ne3A_383 : i32
      %and3A_385 = arith.andi %ne3A_381, %ne3A_384 : i1
      %sub3A_386 = arith.constant 1 : i32
      %sub3A_387 = arith.subi %div3A_366, %sub3A_386 : i32
      %select_n3A_388 = arith.select %and3A_385, %sub3A_387, %div3A_366 : i32
      %jit3A_389 = arith.constant 2048 : i32
      %eq3A_390 = arith.constant 0 : i32
      %eq3A_391 = arith.cmpi eq, %jit3A_389, %eq3A_390 : i32
      %jit3A_392 = arith.constant 1 : i32
      %select_n3A_393 = arith.select %eq3A_391, %jit3A_392, %jit3A_389 : i32
      %rem3A_394 = arith.remsi %add3A_364, %select_n3A_393 : i32
      %ne3A_395 = arith.constant 0 : i32
      %ne3A_396 = arith.cmpi ne, %rem3A_394, %ne3A_395 : i32
      %lt3A_397 = arith.constant 0 : i32
      %lt3A_398 = arith.cmpi slt, %rem3A_394, %lt3A_397 : i32
      %lt3A_399 = arith.constant 0 : i32
      %lt3A_400 = arith.cmpi slt, %select_n3A_393, %lt3A_399 : i32
      %ne3A_401 = arith.xori %lt3A_398, %lt3A_400 : i1
      %and3A_402 = arith.andi %ne3A_401, %ne3A_396 : i1
      %add3A_403 = arith.addi %rem3A_394, %select_n3A_393 : i32
      %select_n3A_404 = arith.select %and3A_402, %add3A_403, %rem3A_394 : i32
      %sub3A_405 = arith.constant 2047 : i32
      %sub3A_406 = arith.subi %sub3A_405, %select_n3A_404 : i32
      %jit3A_407 = arith.constant 8 : i32
      %eq3A_408 = arith.constant 0 : i32
      %eq3A_409 = arith.cmpi eq, %jit3A_407, %eq3A_408 : i32
      %jit3A_410 = arith.constant 1 : i32
      %select_n3A_411 = arith.select %eq3A_409, %jit3A_410, %jit3A_407 : i32
      %rem3A_412 = arith.remsi %sub3A_406, %select_n3A_411 : i32
      %ne3A_413 = arith.constant 0 : i32
      %ne3A_414 = arith.cmpi ne, %rem3A_412, %ne3A_413 : i32
      %lt3A_415 = arith.constant 0 : i32
      %lt3A_416 = arith.cmpi slt, %rem3A_412, %lt3A_415 : i32
      %lt3A_417 = arith.constant 0 : i32
      %lt3A_418 = arith.cmpi slt, %select_n3A_411, %lt3A_417 : i32
      %ne3A_419 = arith.xori %lt3A_416, %lt3A_418 : i1
      %and3A_420 = arith.andi %ne3A_419, %ne3A_414 : i1
      %add3A_421 = arith.addi %rem3A_412, %select_n3A_411 : i32
      %select_n3A_422 = arith.select %and3A_420, %add3A_421, %rem3A_412 : i32
      %sub3A_423 = arith.subi %sub3A_406, %select_n3A_422 : i32
      %multiple_of3A_424 = tpu.assume_multiple %sub3A_423, 8 : i32
      %dma_start3A_425 = arith.constant 0 : i32
      %dma_start3A_426 = tpu.memref_slice %arg3[%select_n3A_388, %select_n3A_404, %dma_start3A_425] : memref<16x2048x2048xf32, #tpu.memory_space<hbm>> -> memref<1x1x2048xf32, #tpu.memory_space<hbm>>
      %dma_start3A_427 = tpu.memref_squeeze %dma_start3A_426 : memref<1x1x2048xf32, #tpu.memory_space<hbm>> -> memref<2048xf32, #tpu.memory_space<hbm>>
      %dma_start3A_428 = tpu.memref_slice %arg4[%select_n3A_422, %select_n3A_388, %multiple_of3A_424] : memref<8x16x4096xf32, #tpu.memory_space<vmem_shared>> -> memref<1x1x2048xf32, #tpu.memory_space<vmem_shared>>
      %dma_start3A_429 = tpu.memref_squeeze %dma_start3A_428 : memref<1x1x2048xf32, #tpu.memory_space<vmem_shared>> -> memref<2048xf32, #tpu.memory_space<vmem_shared>>
      tpu.enqueue_dma source(%dma_start3A_429 : memref<2048xf32, #tpu.memory_space<vmem_shared>>) target(%dma_start3A_427 : memref<2048xf32, #tpu.memory_space<hbm>>) target_semaphore(%arg5 : memref<!tpu.dma_semaphore, #tpu.memory_space<semaphore_mem>>)
      %mul3A_430 = arith.constant 1024 : i32
      %mul3A_431 = arith.muli %add3A, %mul3A_430 : i32
      %mul3A_432 = arith.constant 8 : i32
      %mul3A_433 = arith.muli %scan3A_8, %mul3A_432 : i32
      %add3A_434 = arith.addi %mul3A_431, %mul3A_433 : i32
      %add3A_435 = arith.constant 6 : i32
      %add3A_436 = arith.addi %add3A_434, %add3A_435 : i32
      %jit3A_437 = arith.constant 2048 : i32
      %div3A_438 = arith.divsi %add3A_436, %jit3A_437 : i32
      %sign3A_439 = arith.constant 0 : i32
      %sign3A_440 = arith.cmpi sgt, %add3A_436, %sign3A_439 : i32
      %sign3A_441 = arith.extui %sign3A_440 : i1 to i32
      %sign3A_442 = arith.constant 0 : i32
      %sign3A_443 = arith.cmpi slt, %add3A_436, %sign3A_442 : i32
      %sign3A_444 = arith.extui %sign3A_443 : i1 to i32
      %sign3A_445 = arith.subi %sign3A_441, %sign3A_444 : i32
      %sign3A_446 = arith.constant 0 : i32
      %sign3A_447 = arith.cmpi sgt, %jit3A_437, %sign3A_446 : i32
      %sign3A_448 = arith.extui %sign3A_447 : i1 to i32
      %sign3A_449 = arith.constant 0 : i32
      %sign3A_450 = arith.cmpi slt, %jit3A_437, %sign3A_449 : i32
      %sign3A_451 = arith.extui %sign3A_450 : i1 to i32
      %sign3A_452 = arith.subi %sign3A_448, %sign3A_451 : i32
      %ne3A_453 = arith.cmpi ne, %sign3A_445, %sign3A_452 : i32
      %rem3A_454 = arith.remsi %add3A_436, %jit3A_437 : i32
      %ne3A_455 = arith.constant 0 : i32
      %ne3A_456 = arith.cmpi ne, %rem3A_454, %ne3A_455 : i32
      %and3A_457 = arith.andi %ne3A_453, %ne3A_456 : i1
      %sub3A_458 = arith.constant 1 : i32
      %sub3A_459 = arith.subi %div3A_438, %sub3A_458 : i32
      %select_n3A_460 = arith.select %and3A_457, %sub3A_459, %div3A_438 : i32
      %jit3A_461 = arith.constant 2048 : i32
      %eq3A_462 = arith.constant 0 : i32
      %eq3A_463 = arith.cmpi eq, %jit3A_461, %eq3A_462 : i32
      %jit3A_464 = arith.constant 1 : i32
      %select_n3A_465 = arith.select %eq3A_463, %jit3A_464, %jit3A_461 : i32
      %rem3A_466 = arith.remsi %add3A_436, %select_n3A_465 : i32
      %ne3A_467 = arith.constant 0 : i32
      %ne3A_468 = arith.cmpi ne, %rem3A_466, %ne3A_467 : i32
      %lt3A_469 = arith.constant 0 : i32
      %lt3A_470 = arith.cmpi slt, %rem3A_466, %lt3A_469 : i32
      %lt3A_471 = arith.constant 0 : i32
      %lt3A_472 = arith.cmpi slt, %select_n3A_465, %lt3A_471 : i32
      %ne3A_473 = arith.xori %lt3A_470, %lt3A_472 : i1
      %and3A_474 = arith.andi %ne3A_473, %ne3A_468 : i1
      %add3A_475 = arith.addi %rem3A_466, %select_n3A_465 : i32
      %select_n3A_476 = arith.select %and3A_474, %add3A_475, %rem3A_466 : i32
      %sub3A_477 = arith.constant 2047 : i32
      %sub3A_478 = arith.subi %sub3A_477, %select_n3A_476 : i32
      %jit3A_479 = arith.constant 8 : i32
      %eq3A_480 = arith.constant 0 : i32
      %eq3A_481 = arith.cmpi eq, %jit3A_479, %eq3A_480 : i32
      %jit3A_482 = arith.constant 1 : i32
      %select_n3A_483 = arith.select %eq3A_481, %jit3A_482, %jit3A_479 : i32
      %rem3A_484 = arith.remsi %sub3A_478, %select_n3A_483 : i32
      %ne3A_485 = arith.constant 0 : i32
      %ne3A_486 = arith.cmpi ne, %rem3A_484, %ne3A_485 : i32
      %lt3A_487 = arith.constant 0 : i32
      %lt3A_488 = arith.cmpi slt, %rem3A_484, %lt3A_487 : i32
      %lt3A_489 = arith.constant 0 : i32
      %lt3A_490 = arith.cmpi slt, %select_n3A_483, %lt3A_489 : i32
      %ne3A_491 = arith.xori %lt3A_488, %lt3A_490 : i1
      %and3A_492 = arith.andi %ne3A_491, %ne3A_486 : i1
      %add3A_493 = arith.addi %rem3A_484, %select_n3A_483 : i32
      %select_n3A_494 = arith.select %and3A_492, %add3A_493, %rem3A_484 : i32
      %sub3A_495 = arith.subi %sub3A_478, %select_n3A_494 : i32
      %multiple_of3A_496 = tpu.assume_multiple %sub3A_495, 8 : i32
      %dma_start3A_497 = arith.constant 0 : i32
      %dma_start3A_498 = tpu.memref_slice %arg3[%select_n3A_460, %select_n3A_476, %dma_start3A_497] : memref<16x2048x2048xf32, #tpu.memory_space<hbm>> -> memref<1x1x2048xf32, #tpu.memory_space<hbm>>
      %dma_start3A_499 = tpu.memref_squeeze %dma_start3A_498 : memref<1x1x2048xf32, #tpu.memory_space<hbm>> -> memref<2048xf32, #tpu.memory_space<hbm>>
      %dma_start3A_500 = tpu.memref_slice %arg4[%select_n3A_494, %select_n3A_460, %multiple_of3A_496] : memref<8x16x4096xf32, #tpu.memory_space<vmem_shared>> -> memref<1x1x2048xf32, #tpu.memory_space<vmem_shared>>
      %dma_start3A_501 = tpu.memref_squeeze %dma_start3A_500 : memref<1x1x2048xf32, #tpu.memory_space<vmem_shared>> -> memref<2048xf32, #tpu.memory_space<vmem_shared>>
      tpu.enqueue_dma source(%dma_start3A_501 : memref<2048xf32, #tpu.memory_space<vmem_shared>>) target(%dma_start3A_499 : memref<2048xf32, #tpu.memory_space<hbm>>) target_semaphore(%arg5 : memref<!tpu.dma_semaphore, #tpu.memory_space<semaphore_mem>>)
      %mul3A_502 = arith.constant 1024 : i32
      %mul3A_503 = arith.muli %add3A, %mul3A_502 : i32
      %mul3A_504 = arith.constant 8 : i32
      %mul3A_505 = arith.muli %scan3A_8, %mul3A_504 : i32
      %add3A_506 = arith.addi %mul3A_503, %mul3A_505 : i32
      %add3A_507 = arith.constant 7 : i32
      %add3A_508 = arith.addi %add3A_506, %add3A_507 : i32
      %jit3A_509 = arith.constant 2048 : i32
      %div3A_510 = arith.divsi %add3A_508, %jit3A_509 : i32
      %sign3A_511 = arith.constant 0 : i32
      %sign3A_512 = arith.cmpi sgt, %add3A_508, %sign3A_511 : i32
      %sign3A_513 = arith.extui %sign3A_512 : i1 to i32
      %sign3A_514 = arith.constant 0 : i32
      %sign3A_515 = arith.cmpi slt, %add3A_508, %sign3A_514 : i32
      %sign3A_516 = arith.extui %sign3A_515 : i1 to i32
      %sign3A_517 = arith.subi %sign3A_513, %sign3A_516 : i32
      %sign3A_518 = arith.constant 0 : i32
      %sign3A_519 = arith.cmpi sgt, %jit3A_509, %sign3A_518 : i32
      %sign3A_520 = arith.extui %sign3A_519 : i1 to i32
      %sign3A_521 = arith.constant 0 : i32
      %sign3A_522 = arith.cmpi slt, %jit3A_509, %sign3A_521 : i32
      %sign3A_523 = arith.extui %sign3A_522 : i1 to i32
      %sign3A_524 = arith.subi %sign3A_520, %sign3A_523 : i32
      %ne3A_525 = arith.cmpi ne, %sign3A_517, %sign3A_524 : i32
      %rem3A_526 = arith.remsi %add3A_508, %jit3A_509 : i32
      %ne3A_527 = arith.constant 0 : i32
      %ne3A_528 = arith.cmpi ne, %rem3A_526, %ne3A_527 : i32
      %and3A_529 = arith.andi %ne3A_525, %ne3A_528 : i1
      %sub3A_530 = arith.constant 1 : i32
      %sub3A_531 = arith.subi %div3A_510, %sub3A_530 : i32
      %select_n3A_532 = arith.select %and3A_529, %sub3A_531, %div3A_510 : i32
      %jit3A_533 = arith.constant 2048 : i32
      %eq3A_534 = arith.constant 0 : i32
      %eq3A_535 = arith.cmpi eq, %jit3A_533, %eq3A_534 : i32
      %jit3A_536 = arith.constant 1 : i32
      %select_n3A_537 = arith.select %eq3A_535, %jit3A_536, %jit3A_533 : i32
      %rem3A_538 = arith.remsi %add3A_508, %select_n3A_537 : i32
      %ne3A_539 = arith.constant 0 : i32
      %ne3A_540 = arith.cmpi ne, %rem3A_538, %ne3A_539 : i32
      %lt3A_541 = arith.constant 0 : i32
      %lt3A_542 = arith.cmpi slt, %rem3A_538, %lt3A_541 : i32
      %lt3A_543 = arith.constant 0 : i32
      %lt3A_544 = arith.cmpi slt, %select_n3A_537, %lt3A_543 : i32
      %ne3A_545 = arith.xori %lt3A_542, %lt3A_544 : i1
      %and3A_546 = arith.andi %ne3A_545, %ne3A_540 : i1
      %add3A_547 = arith.addi %rem3A_538, %select_n3A_537 : i32
      %select_n3A_548 = arith.select %and3A_546, %add3A_547, %rem3A_538 : i32
      %sub3A_549 = arith.constant 2047 : i32
      %sub3A_550 = arith.subi %sub3A_549, %select_n3A_548 : i32
      %jit3A_551 = arith.constant 8 : i32
      %eq3A_552 = arith.constant 0 : i32
      %eq3A_553 = arith.cmpi eq, %jit3A_551, %eq3A_552 : i32
      %jit3A_554 = arith.constant 1 : i32
      %select_n3A_555 = arith.select %eq3A_553, %jit3A_554, %jit3A_551 : i32
      %rem3A_556 = arith.remsi %sub3A_550, %select_n3A_555 : i32
      %ne3A_557 = arith.constant 0 : i32
      %ne3A_558 = arith.cmpi ne, %rem3A_556, %ne3A_557 : i32
      %lt3A_559 = arith.constant 0 : i32
      %lt3A_560 = arith.cmpi slt, %rem3A_556, %lt3A_559 : i32
      %lt3A_561 = arith.constant 0 : i32
      %lt3A_562 = arith.cmpi slt, %select_n3A_555, %lt3A_561 : i32
      %ne3A_563 = arith.xori %lt3A_560, %lt3A_562 : i1
      %and3A_564 = arith.andi %ne3A_563, %ne3A_558 : i1
      %add3A_565 = arith.addi %rem3A_556, %select_n3A_555 : i32
      %select_n3A_566 = arith.select %and3A_564, %add3A_565, %rem3A_556 : i32
      %sub3A_567 = arith.subi %sub3A_550, %select_n3A_566 : i32
      %multiple_of3A_568 = tpu.assume_multiple %sub3A_567, 8 : i32
      %dma_start3A_569 = arith.constant 0 : i32
      %dma_start3A_570 = tpu.memref_slice %arg3[%select_n3A_532, %select_n3A_548, %dma_start3A_569] : memref<16x2048x2048xf32, #tpu.memory_space<hbm>> -> memref<1x1x2048xf32, #tpu.memory_space<hbm>>
      %dma_start3A_571 = tpu.memref_squeeze %dma_start3A_570 : memref<1x1x2048xf32, #tpu.memory_space<hbm>> -> memref<2048xf32, #tpu.memory_space<hbm>>
      %dma_start3A_572 = tpu.memref_slice %arg4[%select_n3A_566, %select_n3A_532, %multiple_of3A_568] : memref<8x16x4096xf32, #tpu.memory_space<vmem_shared>> -> memref<1x1x2048xf32, #tpu.memory_space<vmem_shared>>
      %dma_start3A_573 = tpu.memref_squeeze %dma_start3A_572 : memref<1x1x2048xf32, #tpu.memory_space<vmem_shared>> -> memref<2048xf32, #tpu.memory_space<vmem_shared>>
      tpu.enqueue_dma source(%dma_start3A_573 : memref<2048xf32, #tpu.memory_space<vmem_shared>>) target(%dma_start3A_571 : memref<2048xf32, #tpu.memory_space<hbm>>) target_semaphore(%arg5 : memref<!tpu.dma_semaphore, #tpu.memory_space<semaphore_mem>>)
      %dma_wait3A = arith.constant 0 : i32
      %dma_wait3A_574 = tpu.memref_slice %arg3[%select_n3A, %select_n3A_46, %dma_wait3A] : memref<16x2048x2048xf32, #tpu.memory_space<hbm>> -> memref<1x1x2048xf32, #tpu.memory_space<hbm>>
      %dma_wait3A_575 = tpu.memref_squeeze %dma_wait3A_574 : memref<1x1x2048xf32, #tpu.memory_space<hbm>> -> memref<2048xf32, #tpu.memory_space<hbm>>
      %dma_wait3A_576 = tpu.memref_slice %arg4[%select_n3A_64, %select_n3A, %multiple_of3A] : memref<8x16x4096xf32, #tpu.memory_space<vmem_shared>> -> memref<1x1x2048xf32, #tpu.memory_space<vmem_shared>>
      %dma_wait3A_577 = tpu.memref_squeeze %dma_wait3A_576 : memref<1x1x2048xf32, #tpu.memory_space<vmem_shared>> -> memref<2048xf32, #tpu.memory_space<vmem_shared>>
      tpu.wait_dma2 semaphore(%arg5 : memref<!tpu.dma_semaphore, #tpu.memory_space<semaphore_mem>>) src(%dma_wait3A_577 : memref<2048xf32, #tpu.memory_space<vmem_shared>>) dst(%dma_wait3A_575 : memref<2048xf32, #tpu.memory_space<hbm>>)
      %dma_wait3A_578 = arith.constant 0 : i32
      %dma_wait3A_579 = tpu.memref_slice %arg3[%select_n3A_100, %select_n3A_116, %dma_wait3A_578] : memref<16x2048x2048xf32, #tpu.memory_space<hbm>> -> memref<1x1x2048xf32, #tpu.memory_space<hbm>>
      %dma_wait3A_580 = tpu.memref_squeeze %dma_wait3A_579 : memref<1x1x2048xf32, #tpu.memory_space<hbm>> -> memref<2048xf32, #tpu.memory_space<hbm>>
      %dma_wait3A_581 = tpu.memref_slice %arg4[%select_n3A_134, %select_n3A_100, %multiple_of3A_136] : memref<8x16x4096xf32, #tpu.memory_space<vmem_shared>> -> memref<1x1x2048xf32, #tpu.memory_space<vmem_shared>>
      %dma_wait3A_582 = tpu.memref_squeeze %dma_wait3A_581 : memref<1x1x2048xf32, #tpu.memory_space<vmem_shared>> -> memref<2048xf32, #tpu.memory_space<vmem_shared>>
      tpu.wait_dma2 semaphore(%arg5 : memref<!tpu.dma_semaphore, #tpu.memory_space<semaphore_mem>>) src(%dma_wait3A_582 : memref<2048xf32, #tpu.memory_space<vmem_shared>>) dst(%dma_wait3A_580 : memref<2048xf32, #tpu.memory_space<hbm>>)
      %dma_wait3A_583 = arith.constant 0 : i32
      %dma_wait3A_584 = tpu.memref_slice %arg3[%select_n3A_172, %select_n3A_188, %dma_wait3A_583] : memref<16x2048x2048xf32, #tpu.memory_space<hbm>> -> memref<1x1x2048xf32, #tpu.memory_space<hbm>>
      %dma_wait3A_585 = tpu.memref_squeeze %dma_wait3A_584 : memref<1x1x2048xf32, #tpu.memory_space<hbm>> -> memref<2048xf32, #tpu.memory_space<hbm>>
      %dma_wait3A_586 = tpu.memref_slice %arg4[%select_n3A_206, %select_n3A_172, %multiple_of3A_208] : memref<8x16x4096xf32, #tpu.memory_space<vmem_shared>> -> memref<1x1x2048xf32, #tpu.memory_space<vmem_shared>>
      %dma_wait3A_587 = tpu.memref_squeeze %dma_wait3A_586 : memref<1x1x2048xf32, #tpu.memory_space<vmem_shared>> -> memref<2048xf32, #tpu.memory_space<vmem_shared>>
      tpu.wait_dma2 semaphore(%arg5 : memref<!tpu.dma_semaphore, #tpu.memory_space<semaphore_mem>>) src(%dma_wait3A_587 : memref<2048xf32, #tpu.memory_space<vmem_shared>>) dst(%dma_wait3A_585 : memref<2048xf32, #tpu.memory_space<hbm>>)
      %dma_wait3A_588 = arith.constant 0 : i32
      %dma_wait3A_589 = tpu.memref_slice %arg3[%select_n3A_244, %select_n3A_260, %dma_wait3A_588] : memref<16x2048x2048xf32, #tpu.memory_space<hbm>> -> memref<1x1x2048xf32, #tpu.memory_space<hbm>>
      %dma_wait3A_590 = tpu.memref_squeeze %dma_wait3A_589 : memref<1x1x2048xf32, #tpu.memory_space<hbm>> -> memref<2048xf32, #tpu.memory_space<hbm>>
      %dma_wait3A_591 = tpu.memref_slice %arg4[%select_n3A_278, %select_n3A_244, %multiple_of3A_280] : memref<8x16x4096xf32, #tpu.memory_space<vmem_shared>> -> memref<1x1x2048xf32, #tpu.memory_space<vmem_shared>>
      %dma_wait3A_592 = tpu.memref_squeeze %dma_wait3A_591 : memref<1x1x2048xf32, #tpu.memory_space<vmem_shared>> -> memref<2048xf32, #tpu.memory_space<vmem_shared>>
      tpu.wait_dma2 semaphore(%arg5 : memref<!tpu.dma_semaphore, #tpu.memory_space<semaphore_mem>>) src(%dma_wait3A_592 : memref<2048xf32, #tpu.memory_space<vmem_shared>>) dst(%dma_wait3A_590 : memref<2048xf32, #tpu.memory_space<hbm>>)
      %dma_wait3A_593 = arith.constant 0 : i32
      %dma_wait3A_594 = tpu.memref_slice %arg3[%select_n3A_316, %select_n3A_332, %dma_wait3A_593] : memref<16x2048x2048xf32, #tpu.memory_space<hbm>> -> memref<1x1x2048xf32, #tpu.memory_space<hbm>>
      %dma_wait3A_595 = tpu.memref_squeeze %dma_wait3A_594 : memref<1x1x2048xf32, #tpu.memory_space<hbm>> -> memref<2048xf32, #tpu.memory_space<hbm>>
      %dma_wait3A_596 = tpu.memref_slice %arg4[%select_n3A_350, %select_n3A_316, %multiple_of3A_352] : memref<8x16x4096xf32, #tpu.memory_space<vmem_shared>> -> memref<1x1x2048xf32, #tpu.memory_space<vmem_shared>>
      %dma_wait3A_597 = tpu.memref_squeeze %dma_wait3A_596 : memref<1x1x2048xf32, #tpu.memory_space<vmem_shared>> -> memref<2048xf32, #tpu.memory_space<vmem_shared>>
      tpu.wait_dma2 semaphore(%arg5 : memref<!tpu.dma_semaphore, #tpu.memory_space<semaphore_mem>>) src(%dma_wait3A_597 : memref<2048xf32, #tpu.memory_space<vmem_shared>>) dst(%dma_wait3A_595 : memref<2048xf32, #tpu.memory_space<hbm>>)
      %dma_wait3A_598 = arith.constant 0 : i32
      %dma_wait3A_599 = tpu.memref_slice %arg3[%select_n3A_388, %select_n3A_404, %dma_wait3A_598] : memref<16x2048x2048xf32, #tpu.memory_space<hbm>> -> memref<1x1x2048xf32, #tpu.memory_space<hbm>>
      %dma_wait3A_600 = tpu.memref_squeeze %dma_wait3A_599 : memref<1x1x2048xf32, #tpu.memory_space<hbm>> -> memref<2048xf32, #tpu.memory_space<hbm>>
      %dma_wait3A_601 = tpu.memref_slice %arg4[%select_n3A_422, %select_n3A_388, %multiple_of3A_424] : memref<8x16x4096xf32, #tpu.memory_space<vmem_shared>> -> memref<1x1x2048xf32, #tpu.memory_space<vmem_shared>>
      %dma_wait3A_602 = tpu.memref_squeeze %dma_wait3A_601 : memref<1x1x2048xf32, #tpu.memory_space<vmem_shared>> -> memref<2048xf32, #tpu.memory_space<vmem_shared>>
      tpu.wait_dma2 semaphore(%arg5 : memref<!tpu.dma_semaphore, #tpu.memory_space<semaphore_mem>>) src(%dma_wait3A_602 : memref<2048xf32, #tpu.memory_space<vmem_shared>>) dst(%dma_wait3A_600 : memref<2048xf32, #tpu.memory_space<hbm>>)
      %dma_wait3A_603 = arith.constant 0 : i32
      %dma_wait3A_604 = tpu.memref_slice %arg3[%select_n3A_460, %select_n3A_476, %dma_wait3A_603] : memref<16x2048x2048xf32, #tpu.memory_space<hbm>> -> memref<1x1x2048xf32, #tpu.memory_space<hbm>>
      %dma_wait3A_605 = tpu.memref_squeeze %dma_wait3A_604 : memref<1x1x2048xf32, #tpu.memory_space<hbm>> -> memref<2048xf32, #tpu.memory_space<hbm>>
      %dma_wait3A_606 = tpu.memref_slice %arg4[%select_n3A_494, %select_n3A_460, %multiple_of3A_496] : memref<8x16x4096xf32, #tpu.memory_space<vmem_shared>> -> memref<1x1x2048xf32, #tpu.memory_space<vmem_shared>>
      %dma_wait3A_607 = tpu.memref_squeeze %dma_wait3A_606 : memref<1x1x2048xf32, #tpu.memory_space<vmem_shared>> -> memref<2048xf32, #tpu.memory_space<vmem_shared>>
      tpu.wait_dma2 semaphore(%arg5 : memref<!tpu.dma_semaphore, #tpu.memory_space<semaphore_mem>>) src(%dma_wait3A_607 : memref<2048xf32, #tpu.memory_space<vmem_shared>>) dst(%dma_wait3A_605 : memref<2048xf32, #tpu.memory_space<hbm>>)
      %dma_wait3A_608 = arith.constant 0 : i32
      %dma_wait3A_609 = tpu.memref_slice %arg3[%select_n3A_532, %select_n3A_548, %dma_wait3A_608] : memref<16x2048x2048xf32, #tpu.memory_space<hbm>> -> memref<1x1x2048xf32, #tpu.memory_space<hbm>>
      %dma_wait3A_610 = tpu.memref_squeeze %dma_wait3A_609 : memref<1x1x2048xf32, #tpu.memory_space<hbm>> -> memref<2048xf32, #tpu.memory_space<hbm>>
      %dma_wait3A_611 = tpu.memref_slice %arg4[%select_n3A_566, %select_n3A_532, %multiple_of3A_568] : memref<8x16x4096xf32, #tpu.memory_space<vmem_shared>> -> memref<1x1x2048xf32, #tpu.memory_space<vmem_shared>>
      %dma_wait3A_612 = tpu.memref_squeeze %dma_wait3A_611 : memref<1x1x2048xf32, #tpu.memory_space<vmem_shared>> -> memref<2048xf32, #tpu.memory_space<vmem_shared>>
      tpu.wait_dma2 semaphore(%arg5 : memref<!tpu.dma_semaphore, #tpu.memory_space<semaphore_mem>>) src(%dma_wait3A_612 : memref<2048xf32, #tpu.memory_space<vmem_shared>>) dst(%dma_wait3A_610 : memref<2048xf32, #tpu.memory_space<hbm>>)
    }
    %scan3A_7 = arith.constant 128 : i32
    return
  }
}

module attributes {stable_mosaic.version = 14 : i64} {
  func.func @_mlp_banks_kernel(%arg0: memref<1x4096xf32, #tpu.memory_space<vmem>>, %arg1: memref<512x1xf32, #tpu.memory_space<vmem>>, %arg2: memref<512x1xf32, #tpu.memory_space<vmem>>, %arg3: memref<16x512xf32, #tpu.memory_space<vmem>>, %arg4: memref<8x16x4096xf32, #tpu.memory_space<vmem>>) attributes {dimension_semantics = [], scalar_prefetch = 0 : i64, scratch_operands = 0 : i64, tpu.core_type = #tpu.core_type<tc>} {
    %get3A = arith.constant 0 : index
    %get3A_0 = arith.constant 0 : index
    %get3A_1 = vector.load %arg1[%get3A, %get3A_0] : memref<512x1xf32, #tpu.memory_space<vmem>>, vector<512x1xf32>
    %get3A_2 = arith.constant 0 : index
    %get3A_3 = arith.constant 0 : index
    %get3A_4 = vector.load %arg0[%get3A_2, %get3A_3] : memref<1x4096xf32, #tpu.memory_space<vmem>>, vector<1x4096xf32>
    %mul3A = vector.broadcast %get3A_1 : vector<512x1xf32> to vector<512x4096xf32>
    %mul3A_5 = vector.broadcast %get3A_4 : vector<1x4096xf32> to vector<512x4096xf32>
    %mul3A_6 = arith.mulf %mul3A, %mul3A_5 : vector<512x4096xf32>
    %get3A_7 = arith.constant 0 : index
    %get3A_8 = arith.constant 0 : index
    %get3A_9 = vector.load %arg2[%get3A_7, %get3A_8] : memref<512x1xf32, #tpu.memory_space<vmem>>, vector<512x1xf32>
    %add3A = vector.broadcast %get3A_9 : vector<512x1xf32> to vector<512x4096xf32>
    %add3A_10 = arith.addf %mul3A_6, %add3A : vector<512x4096xf32>
    %max3A = arith.constant 0.000000e+00 : f32
    %max3A_11 = vector.broadcast %max3A : f32 to vector<512x4096xf32>
    %max3A_12 = arith.maximumf %add3A_10, %max3A_11 : vector<512x4096xf32>
    %get3A_13 = arith.constant 0 : index
    %get3A_14 = arith.constant 0 : index
    %get3A_15 = vector.load %arg3[%get3A_13, %get3A_14] : memref<16x512xf32, #tpu.memory_space<vmem>>, vector<16x512xf32>
    %dot_general3A = arith.constant dense<0.000000e+00> : vector<16x4096xf32>
    %dot_general3A_16 = tpu.matmul %get3A_15, %max3A_12, %dot_general3A {dimension_numbers = #tpu.dot_dimension_numbers<[1], [0], [0], [1], [0, 0, 1, 1], [], []>, precision = #tpu.contract_precision<fp32>, transpose_lhs_hint = false} : vector<16x512xf32>, vector<512x4096xf32>, vector<16x4096xf32> -> vector<16x4096xf32>
    %logistic3A = arith.negf %dot_general3A_16 : vector<16x4096xf32>
    %logistic3A_17 = math.exp %logistic3A : vector<16x4096xf32>
    %logistic3A_18 = arith.constant 1.000000e+00 : f32
    %logistic3A_19 = vector.broadcast %logistic3A_18 : f32 to vector<16x4096xf32>
    %logistic3A_20 = arith.addf %logistic3A_19, %logistic3A_17 : vector<16x4096xf32>
    %logistic3A_21 = arith.divf %logistic3A_19, %logistic3A_20 : vector<16x4096xf32>
    %mul3A_22 = arith.constant 1.600000e+01 : f32
    %mul3A_23 = vector.broadcast %mul3A_22 : f32 to vector<16x4096xf32>
    %mul3A_24 = arith.mulf %mul3A_23, %logistic3A_21 : vector<16x4096xf32>
    %roll3A = arith.constant 0 : i32
    %roll3A_25 = tpu.dynamic_rotate %mul3A_24 by %roll3A dim 1 : vector<16x4096xf32>, i32 -> vector<16x4096xf32>
    %swap3A = arith.constant 0 : index
    %swap3A_26 = arith.constant 0 : index
    %swap3A_27 = arith.constant 0 : index
    %swap3A_28 = vector.load %arg4[%swap3A, %swap3A_26, %swap3A_27] : memref<8x16x4096xf32, #tpu.memory_space<vmem>>, vector<1x16x4096xf32>
    %swap3A_29 = vector.shape_cast %swap3A_28 : vector<1x16x4096xf32> to vector<16x4096xf32>
    %swap3A_30 = vector.shape_cast %roll3A_25 : vector<16x4096xf32> to vector<1x16x4096xf32>
    tpu.vector_store %arg4[%swap3A, %swap3A_26, %swap3A_27], %swap3A_30 {strides = array<i32>} : memref<8x16x4096xf32, #tpu.memory_space<vmem>>, vector<1x16x4096xf32>,
    %roll3A_31 = arith.constant 4095 : i32
    %roll3A_32 = tpu.dynamic_rotate %mul3A_24 by %roll3A_31 dim 1 : vector<16x4096xf32>, i32 -> vector<16x4096xf32>
    %swap3A_33 = arith.constant 1 : index
    %swap3A_34 = arith.constant 0 : index
    %swap3A_35 = arith.constant 0 : index
    %swap3A_36 = vector.load %arg4[%swap3A_33, %swap3A_34, %swap3A_35] : memref<8x16x4096xf32, #tpu.memory_space<vmem>>, vector<1x16x4096xf32>
    %swap3A_37 = vector.shape_cast %swap3A_36 : vector<1x16x4096xf32> to vector<16x4096xf32>
    %swap3A_38 = vector.shape_cast %roll3A_32 : vector<16x4096xf32> to vector<1x16x4096xf32>
    tpu.vector_store %arg4[%swap3A_33, %swap3A_34, %swap3A_35], %swap3A_38 {strides = array<i32>} : memref<8x16x4096xf32, #tpu.memory_space<vmem>>, vector<1x16x4096xf32>,
    %roll3A_39 = arith.constant 4094 : i32
    %roll3A_40 = tpu.dynamic_rotate %mul3A_24 by %roll3A_39 dim 1 : vector<16x4096xf32>, i32 -> vector<16x4096xf32>
    %swap3A_41 = arith.constant 2 : index
    %swap3A_42 = arith.constant 0 : index
    %swap3A_43 = arith.constant 0 : index
    %swap3A_44 = vector.load %arg4[%swap3A_41, %swap3A_42, %swap3A_43] : memref<8x16x4096xf32, #tpu.memory_space<vmem>>, vector<1x16x4096xf32>
    %swap3A_45 = vector.shape_cast %swap3A_44 : vector<1x16x4096xf32> to vector<16x4096xf32>
    %swap3A_46 = vector.shape_cast %roll3A_40 : vector<16x4096xf32> to vector<1x16x4096xf32>
    tpu.vector_store %arg4[%swap3A_41, %swap3A_42, %swap3A_43], %swap3A_46 {strides = array<i32>} : memref<8x16x4096xf32, #tpu.memory_space<vmem>>, vector<1x16x4096xf32>,
    %roll3A_47 = arith.constant 4093 : i32
    %roll3A_48 = tpu.dynamic_rotate %mul3A_24 by %roll3A_47 dim 1 : vector<16x4096xf32>, i32 -> vector<16x4096xf32>
    %swap3A_49 = arith.constant 3 : index
    %swap3A_50 = arith.constant 0 : index
    %swap3A_51 = arith.constant 0 : index
    %swap3A_52 = vector.load %arg4[%swap3A_49, %swap3A_50, %swap3A_51] : memref<8x16x4096xf32, #tpu.memory_space<vmem>>, vector<1x16x4096xf32>
    %swap3A_53 = vector.shape_cast %swap3A_52 : vector<1x16x4096xf32> to vector<16x4096xf32>
    %swap3A_54 = vector.shape_cast %roll3A_48 : vector<16x4096xf32> to vector<1x16x4096xf32>
    tpu.vector_store %arg4[%swap3A_49, %swap3A_50, %swap3A_51], %swap3A_54 {strides = array<i32>} : memref<8x16x4096xf32, #tpu.memory_space<vmem>>, vector<1x16x4096xf32>,
    %roll3A_55 = arith.constant 4092 : i32
    %roll3A_56 = tpu.dynamic_rotate %mul3A_24 by %roll3A_55 dim 1 : vector<16x4096xf32>, i32 -> vector<16x4096xf32>
    %swap3A_57 = arith.constant 4 : index
    %swap3A_58 = arith.constant 0 : index
    %swap3A_59 = arith.constant 0 : index
    %swap3A_60 = vector.load %arg4[%swap3A_57, %swap3A_58, %swap3A_59] : memref<8x16x4096xf32, #tpu.memory_space<vmem>>, vector<1x16x4096xf32>
    %swap3A_61 = vector.shape_cast %swap3A_60 : vector<1x16x4096xf32> to vector<16x4096xf32>
    %swap3A_62 = vector.shape_cast %roll3A_56 : vector<16x4096xf32> to vector<1x16x4096xf32>
    tpu.vector_store %arg4[%swap3A_57, %swap3A_58, %swap3A_59], %swap3A_62 {strides = array<i32>} : memref<8x16x4096xf32, #tpu.memory_space<vmem>>, vector<1x16x4096xf32>,
    %roll3A_63 = arith.constant 4091 : i32
    %roll3A_64 = tpu.dynamic_rotate %mul3A_24 by %roll3A_63 dim 1 : vector<16x4096xf32>, i32 -> vector<16x4096xf32>
    %swap3A_65 = arith.constant 5 : index
    %swap3A_66 = arith.constant 0 : index
    %swap3A_67 = arith.constant 0 : index
    %swap3A_68 = vector.load %arg4[%swap3A_65, %swap3A_66, %swap3A_67] : memref<8x16x4096xf32, #tpu.memory_space<vmem>>, vector<1x16x4096xf32>
    %swap3A_69 = vector.shape_cast %swap3A_68 : vector<1x16x4096xf32> to vector<16x4096xf32>
    %swap3A_70 = vector.shape_cast %roll3A_64 : vector<16x4096xf32> to vector<1x16x4096xf32>
    tpu.vector_store %arg4[%swap3A_65, %swap3A_66, %swap3A_67], %swap3A_70 {strides = array<i32>} : memref<8x16x4096xf32, #tpu.memory_space<vmem>>, vector<1x16x4096xf32>,
    %roll3A_71 = arith.constant 4090 : i32
    %roll3A_72 = tpu.dynamic_rotate %mul3A_24 by %roll3A_71 dim 1 : vector<16x4096xf32>, i32 -> vector<16x4096xf32>
    %swap3A_73 = arith.constant 6 : index
    %swap3A_74 = arith.constant 0 : index
    %swap3A_75 = arith.constant 0 : index
    %swap3A_76 = vector.load %arg4[%swap3A_73, %swap3A_74, %swap3A_75] : memref<8x16x4096xf32, #tpu.memory_space<vmem>>, vector<1x16x4096xf32>
    %swap3A_77 = vector.shape_cast %swap3A_76 : vector<1x16x4096xf32> to vector<16x4096xf32>
    %swap3A_78 = vector.shape_cast %roll3A_72 : vector<16x4096xf32> to vector<1x16x4096xf32>
    tpu.vector_store %arg4[%swap3A_73, %swap3A_74, %swap3A_75], %swap3A_78 {strides = array<i32>} : memref<8x16x4096xf32, #tpu.memory_space<vmem>>, vector<1x16x4096xf32>,
    %roll3A_79 = arith.constant 4089 : i32
    %roll3A_80 = tpu.dynamic_rotate %mul3A_24 by %roll3A_79 dim 1 : vector<16x4096xf32>, i32 -> vector<16x4096xf32>
    %swap3A_81 = arith.constant 7 : index
    %swap3A_82 = arith.constant 0 : index
    %swap3A_83 = arith.constant 0 : index
    %swap3A_84 = vector.load %arg4[%swap3A_81, %swap3A_82, %swap3A_83] : memref<8x16x4096xf32, #tpu.memory_space<vmem>>, vector<1x16x4096xf32>
    %swap3A_85 = vector.shape_cast %swap3A_84 : vector<1x16x4096xf32> to vector<16x4096xf32>
    %swap3A_86 = vector.shape_cast %roll3A_80 : vector<16x4096xf32> to vector<1x16x4096xf32>
    tpu.vector_store %arg4[%swap3A_81, %swap3A_82, %swap3A_83], %swap3A_86 {strides = array<i32>} : memref<8x16x4096xf32, #tpu.memory_space<vmem>>, vector<1x16x4096xf32>,
    return
  }
}

</mosaic_0001>

<sc_bundles>
// kernel: kernel.4.cloned.1.call-start
scs
__scs_entry_jumppad:
0x0: {  	(pc) =	sbr.rel $0x88, $3  }
0x1: {  	(tag) =	ssettag $0x0;
	lr =	simm.s32 $0x1  }
0x2: {  	[smem:$0x3F9C] =	sst lr;
	_ =	strace $0xD0000000  }
0x3: {  	_ = 	snop  }
0x4: {  	_ = 	snop  }
0x5: {  	_ = 	snop  }
0x6: {  	_ = 	snop  }
0x7: {  	_ = 	snop  }
__scs_overlays_trampoline_lowered:
0x8: {  	[smem:$0x3FAB] =	sst s0  }
0x9: {  	[smem:$0x3FAC] =	sst s1  }
0xa: {  	[smem:$0x3FAD] =	sst s2  }
0xb: {  	[smem:$0x3FAE] =	sst s3  }
0xc: {  	[smem:$0x3FAF] =	sst s4  }
0xd: {  	[smem:$0x3FB0] =	sst s5  }
0xe: {  	[smem:$0x3FB1] =	sst s6  }
0xf: {  	[smem:$0x3FB2] =	sst s7  }
0x10: {  	[smem:$0x3FB3] =	sst s8  }
0x11: {  	[smem:$0x3FB4] =	sst s9;
	s0 =	simm.s32 @!p0 $0x0  }
0x12: {  	s1 =	sld [smem:$0x3F9A];
	s0 =	simm.s32 @p0 $0x1  }
0x13: {  	[smem:$0x3FB5] =	sst s0;
	s0 =	simm.s32 @!p1 $0x0  }
0x14: {  	s2 =	sld [smem:$0x3F99];
	s0 =	simm.s32 @p1 $0x1  }
0x15: {  	[smem:$0x3FB6] =	sst s0;
	s0 =	simm.s32 @!p2 $0x0  }
0x16: {  	s3 =	sld [smem:$0x3FDB];
	s0 =	simm.s32 @p2 $0x1  }
0x17: {  	s4 =	simm.s32 $0x1BF5;
	[smem:$0x3FB8] =	sst s0  }
0x18: {  	s0 =	sld [smem:$0x3F9B];
	_ =	swait.ge [sflag:s4], $0x0  }
0x19: {  	s7 =	sld [smem:$0x3F9C]  }
0x1a: {  	s8 =	sadd.s32 $0xFFFFE003, lr  }
0x1b: {  	s9 =	sadd.s32 $0xFFFFFEF7, lr;
	s5 =	simm.s32 $0xFFFFFFFF;
	p2 =	slt.u32 s8, $0xFFFFF086  }
0x1c: {  	p1 =	slt.u32 s9, $0xF7A;
	s5 =	simm.s32 @!p2 $0x0  }
0x1d: {  	s5 =	simm.s32 @p1 $0x1;
	p0 =	seq.s32 s7, s2  }
0x1e: {  	s7 =	smul.u32 @!p0 $0xF7A, s2;
	p2 =	seq.s32 @!p0 s5, $0x0  }
0x1f: {  	s9 =	smul.u32 $0xF7A, s1;
	s8 =	simm.s32 @!p0 $0x1BF5;
	p2 =	por !p2, p0  }
0x20: {  	[sflag:s8] =	ssyncset.s32 @!p0 $0xFFFFF086;
	s6 =	sadd.s32 @!p0 s3, s7;
	s7 =	simm.s32 @!p0 $0x108  }
0x21: {  	s3 =	sadd.s32 s3, s9;
	s6 =	sadd.s32 @!p0 $0x88, s6;
	s7 =	simm.s32 @p2 $0x1082  }
0x22: {  	[simem:s7], [sflag:s8] =	dma.local @!p0 [hbm:s6], $0xF7A  }
0x23: {  	s9 =	sor.u32 $0xD0000000, s2;
	s6 =	simm.s32 $0x108;
	_ =	swait.ge @!p0 [sflag:s8], $0x0  }
0x24: {  	s3 =	sadd.s32 $0x88, s3;
	s6 =	simm.s32 @!p1 $0x1082;
	[sflag:s4] =	ssyncset.s32 $0xFFFFF086  }
0x25: {  	[simem:s6], [sflag:s4] =	dma.local [hbm:s3], $0xF7A  }
0x26: {  	[smem:$0x3F9C] =	sst s1;
	(tag) =	ssettag s2;
	_ =	strace s9  }
0x27: {  	s1 =	sld [smem:$0x3FAC]  }
0x28: {  	s2 =	sld [smem:$0x3FAD]  }
0x29: {  	s4 =	sld [smem:$0x3FAF]  }
0x2a: {  	p0 =	seq.s32 s5, $0x0;
	s5 =	sld [smem:$0x3FB0]  }
0x2b: {  	s6 =	sld [smem:$0x3FB1]  }
0x2c: {  	s7 =	sld [smem:$0x3FB2]  }
0x2d: {  	s3 =	simm.s32 $0x108;
	s8 =	sld [smem:$0x3FB3]  }
0x2e: {  	s3 =	simm.s32 @!p0 $0x1082;
	s9 =	sld [smem:$0x3FB4]  }
0x2f: {  	lr =	sadd.s32 s0, s3;
	s0 =	sld [smem:$0x3FAB]  }
0x30: {  	s3 =	sld [smem:$0x3FAE]  }
0x31: {  	[smem:$0x3FB7] =	sst s10  }
0x32: {  	s10 =	sld [smem:$0x3FB5];
	_ =	sdelay $0x3  }
0x33: {  	p0 =	seq.s32 s10, $0x1;
	s10 =	sld [smem:$0x3FB7];
	_ =	sdelay $0x3  }
0x34: {  	[smem:$0x3FB7] =	sst s10  }
0x35: {  	s10 =	sld [smem:$0x3FB6];
	_ =	sdelay $0x3  }
0x36: {  	p1 =	seq.s32 s10, $0x1;
	s10 =	sld [smem:$0x3FB7];
	_ =	sdelay $0x3  }
0x37: {  	[smem:$0x3FB7] =	sst s10  }
0x38: {  	s10 =	sld [smem:$0x3FB8]  }
0x39: {  	_ = 	snop;
	(pc) =	sbr.ind lr, $3  }
0x3a: {  	_ = 	snop  }
0x3b: {  	_ = 	snop  }
0x3c: {  	p2 =	seq.s32 s10, $0x1;
	s10 =	sld [smem:$0x3FB7]  }
0x3d: {  	_ =	shalt  }
0x3e: {  	_ =	shalt  }
0x3f: {  	_ =	shalt  }
0x40: {  	_ =	shalt  }
0x41: {  	_ =	shalt  }
0x42: {  	_ =	shalt  }
0x43: {  	_ =	shalt  }
0x44: {  	_ =	shalt  }
0x45: {  	_ =	shalt  }
0x46: {  	_ =	shalt  }
0x47: {  	_ =	shalt  }
0x48: {  	_ =	shalt  }
0x49: {  	_ =	shalt  }
0x4a: {  	_ =	shalt  }
0x4b: {  	_ =	shalt  }
0x4c: {  	_ =	shalt  }
0x4d: {  	_ =	shalt  }
0x4e: {  	_ =	shalt  }
0x4f: {  	_ =	shalt  }
0x50: {  	_ =	shalt  }
0x51: {  	_ =	shalt  }
0x52: {  	_ =	shalt  }
0x53: {  	_ =	shalt  }
0x54: {  	_ =	shalt  }
0x55: {  	_ =	shalt  }
0x56: {  	_ =	shalt  }
0x57: {  	_ =	shalt  }
0x58: {  	_ =	shalt  }
0x59: {  	_ =	shalt  }
0x5a: {  	_ =	shalt  }
0x5b: {  	_ =	shalt  }
0x5c: {  	_ =	shalt  }
0x5d: {  	_ =	shalt  }
0x5e: {  	_ =	shalt  }
0x5f: {  	_ =	shalt  }
0x60: {  	_ =	shalt  }
0x61: {  	_ =	shalt  }
0x62: {  	_ =	shalt  }
0x63: {  	_ =	shalt  }
0x64: {  	_ =	shalt  }
0x65: {  	_ =	shalt  }
0x66: {  	_ =	shalt  }
0x67: {  	_ =	shalt  }
0x68: {  	_ =	shalt  }
0x69: {  	_ =	shalt  }
0x6a: {  	_ =	shalt  }
0x6b: {  	_ =	shalt  }
0x6c: {  	_ =	shalt  }
0x6d: {  	_ =	shalt  }
0x6e: {  	_ =	shalt  }
0x6f: {  	_ =	shalt  }
0x70: {  	_ =	shalt  }
0x71: {  	_ =	shalt  }
0x72: {  	_ =	shalt  }
0x73: {  	_ =	shalt  }
0x74: {  	_ =	shalt  }
0x75: {  	_ =	shalt  }
0x76: {  	_ =	shalt  }
0x77: {  	_ =	shalt  }
0x78: {  	_ =	shalt  }
0x79: {  	_ =	shalt  }
0x7a: {  	_ =	shalt  }
0x7b: {  	_ =	shalt  }
0x7c: {  	_ =	shalt  }
0x7d: {  	_ =	shalt  }
0x7e: {  	_ =	shalt  }
0x7f: {  	_ =	shalt  }
0x80: {  	_ =	shalt  }
0x81: {  	_ =	shalt  }
0x82: {  	_ =	shalt  }
0x83: {  	_ =	shalt  }
0x84: {  	_ =	shalt  }
0x85: {  	_ =	shalt  }
0x86: {  	_ =	shalt  }
0x87: {  	_ =	shalt  }
.Lfunc_end0:
.L_simem_size_0:
called_computation_lowered:
.L_overlay_start_0:
0x88: {  	s2 =	sld [smem:$0x3FD9]  }
0x89: {  	s3 =	sld [smem:$0x3FFE];
	_ =	sdelay $0x1  }
0x8a: {  	s1 =	srdreg.scid  }
0x8b: {  	s0 =	sand.u32 $0x1, s1  }
0x8c: {  	s17 =	sshll.u32 s0, $0xA;
	s2 =	sadd.s32 s3, s2  }
0x8d: {  	s2 =	sadd.s32 s2, s17  }
0x8e: {  	[smem:$0x3FC3] =	sst s2  }
0x8f: {  	_ = 	snop  }
0x90: {  	s2 =	sld [smem:$0x3FD0];
	(tm) =	ssettm $0x1  }
0x91: {  	s18 =	sld [smem:$0x3FFB];
	_ =	sdelay $0x3  }
0x92: {  	_ =	strace s18  }
0x93: {  	s3 =	sld [smem:$0x3FFC];
	_ =	sdelay $0x3  }
0x94: {  	_ =	strace s3  }
0x95: {  	s3 =	sld [smem:$0x3FFD];
	_ =	sdelay $0x3  }
0x96: {  	_ =	strace s3  }
0x97: {  	_ =	strace $0x8FFFFFFF  }
0x98: {  	s19 =	sld [smem:$0x3FDB];
	_ =	sdelay $0x1  }
0x99: {  	s4 =	simm.s32 $_scs_section_size  }
0x9a: {  	s5 =	simm.s32 $_size__tile_overlayer_lowered;
	s6 =	simm.s32 $_tile_overlayer_lowered  }
0x9b: {  	s22 =	simm.s32 $0x1BFF;
	s21 =	sshll.u32 s6, $0x1;
	s3 =	sadd.s32 s4, s19  }
0x9c: {  	s7 =	simm.s32 $0x0;
	s20 =	sshll.u32 s5, $0x1;
	s5 =	sadd.s32 s21, s3  }
0x9d: {  	[timem:s7], [sflag:s22] =	dma.local [hbm:s5], s20  }
0x9e: {  	_ =	swait.ge [sflag:s22], s20  }
0x9f: {  	s4 =	ssub.s32 $0x0, s20;
	[sflag:s22] =	ssyncset.done $0x0  }
0xa0: {  	[sflag:s22] =	ssyncadd.s32 s4;
	_ =	sdelay $0x1  }
0xa1: {  	s23 =	simm.s32 $0x1B8B  }
0xa2: {  	_ =	swait.ge [sflag:s23], $0x1  }
0xa3: {  	[sflag:s23] =	ssyncset.done $0x0  }
0xa4: {  	s25 =	simm.s32 $0x1B8E;
	s24 =	sld [smem:$0x3FFE];
	[sflag:s23] =	ssyncadd.s32 $0xFFFFFFFF  }
0xa5: {  	s26 =	simm.s32 $execute0_lowered;
	[smem:$0x3FD2] =	sst s25  }
0xa6: {  	s5 =	sshll.u32 s26, $0x1;
	_ =	strace $0x80000046;
	[dreg:$0x1] =	wrdreg $0xFFFFFFFF  }
0xa7: {  	s28 =	simm.s32 $_size_execute0_lowered;
	s3 =	sadd.s32 s3, s5;
	[dreg:$0x0] =	wrdreg $0x0  }
0xa8: {  	s5 =	sshll.u32 s28, $0x1;
	[dreg:$0x2] =	wrdreg s3  }
0xa9: {  	[dreg:$0x3] =	wrdreg s5  }
0xaa: {  	[dreg:$0x4] =	wrdreg $0xC0  }
0xab: {  	_ =	task [dreg:s7], $0x5FFFF  }
0xac: {  	[dreg:$0x1] =	wrdreg $0xFFFFFFFF  }
0xad: {  	[dreg:$0x0] =	wrdreg $0x60  }
0xae: {  	[dreg:$0x2] =	wrdreg s2  }
0xaf: {  	[dreg:$0x3] =	wrdreg s24  }
0xb0: {  	[dreg:$0x4] =	wrdreg $0x0  }
0xb1: {  	[dreg:$0x5] =	wrdreg $0x9  }
0xb2: {  	_ =	task.clear_ibuf [dreg:s7], $0x6FFFF;
	_ =	strace $0x90000046  }
0xb3: {  	s29 =	simm.s32 $0x9;
	_ =	strace $0x80000048  }
0xb4: {  	_ =	swait.ge [sflag:s29], $0x1  }
0xb5: {  	[sflag:s29] =	ssyncadd.s32 $0xFFFFFFFF  }
0xb6: {  	_ =	strace $0x90000048  }
0xb7: {  	_ =	sfence  }
0xb8: {  	s30 =	sld [smem:$0x0];
	_ =	sdelay $0x2  }
0xb9: {  	s31 =	sshll.u32 s1, $0xD;
	s1 =	sshrl.u32 s1, $0x2  }
0xba: {  	s3 =	sand.u32 $0x4000, s31;
	s1 =	sadd.s32 s1, s30  }
0xbb: {  	s0 =	sor.u32 s3, s0;
	s1 =	sshll.u32 s1, $0x11  }
0xbc: {  	s0 =	sor.u32 s1, s0  }
0xbd: {  	s0 =	sadd.s32 $0x8F2B, s0  }
0xbe: {  	[sflag:s0] =	ssyncadd.remote.s32 $0x1  }
0xbf: {  	_ =	sfence.sel $0xFFFF  }
0xc0: {  	[dreg:$0x0] =	wrdreg $0xFFFFFFFF;
	(pc) =	sbr.abs _section_cstart, $3  }
0xc1: {  	[dreg:$0x1] =	wrdreg $0xFFFFFFFF  }
0xc2: {  	_ =	task.clear_ibuf [dreg:s7], $0x2FFFF;
	_ =	strace $0x9FFFFFFF  }
0xc3: {  	(tm) =	ssettm $0x7FFFFFFF  }
tec
execute0_lowered:
.L_overlay_start_1:
0x0: {  	(tag) =	ssettag $0x1  }
0x1: {  	s4 =	rddreg [dreg:$0x1]  }
0x2: {  	s2 =	rddreg [dreg:$0x2];
	s5 =	srdreg.scid;
	s3 =	simm.s32 $0x0  }
0x3: {  	s13 =	simm.s32 $0xFFFFFFFF;
	s10 =	sand.u32 $0x1, s5;
	[smem:$0x7FF] =	sst s3  }
0x4: {  	s4 =	sadd.s32 $0x600, s4;
	s5 =	stileid.u32;
	s6 =	ssub.s32 $0x2, s10  }
0x5: {  	_ =	strace $0x80000047;
	s9 =	sshll.u32 s5, $0xC;
	s11 =	sshll.u32 s5, $0xE  }
0x6: {  	s12 =	sshll.u32 s5, $0x13;
	s31 =	sshll.u32 s10, $0x12;
	p0 =	sne.s32 s5, $0x0  }
0x7: {  	s14 =	sshll.u32 s5, $0x6;
	[dreg:$0x4] =	wrdreg s13;
	s13 =	simm.s32 $0x1  }
0x8: {  	s7 =	sshrl.u32 s6, $0x1;
	[dreg:$0x5] =	wrdreg s9;
	s30 =	sadd.s32 s12, s4  }
0x9: {  	s12 =	sshrl.u32 @!p0 s2, $0x3;
	s8 =	ssub.s32 s6, s7;
	s7 =	sshll.u32 s10, $0xC  }
0xa: {  	s14 =	sor.u32 $0x1C01, s14;
	s6 =	sshll.u32 s10, $0xA;
	s29 =	ssub.s32 s11, s7  }
0xb: {  	s10 =	sshll.u32 s10, $0x15;
	s11 =	sadd.s32 s31, s30;
	s9 =	sshra.s32 s29, $0x2  }
0xc: {  	s8 =	smax.u32 s8, $0x1;
	s11 =	sadd.s32 $0x400, s11;
	s9 =	sadd.s32 s9, s2  }
.LBB2_1:
0xd: {  	s15 =	simm.s32 @!p0 $0x1C02;
	s0 =	rddreg [dreg:$0x0]  }
0xe: {  	[spmem:s12], [sflag:s15] =	dma.local @!p0 [hbm:s0], $0x10000  }
0xf: {  	s15 =	simm.s32 @!p0 $0x2  }
0x10: {  	s18 =	sor.u32 s5, s6;
	p1 =	sne.s32 s7, $0x0;
	_ =	swait.ge @!p0 [sflag:s15], $0x10000  }
0x11: {  	s16 =	simm.s32 $0x1;
	s17 =	sadd.s32 $0x200, s11;
	[sflag:s15] =	ssyncset.done @!p0 $0x0  }
0x12: {  	s21 =	sadd.s32 $0xFFFFFD00, s11;
	p2 =	seq.s32 s18, $0x0;
	[sflag:s15] =	ssyncadd.s32 @!p0 $0xFFFF0000  }
0x13: {  	s22 =	sadd.s32 $0xFFFFFE00, s11;
	p1 =	por !p1, !p2;
	[bflag:$0x0] =	sbarrier.arrive $0xFFFF  }
0x14: {  	s24 =	sadd.s32 $0x100, s11;
	p1 =	por !p1, !p1;
	s15 =	rddreg [dreg:$0x4]  }
0x15: {  	s25 =	sadd.s32 $0xFFFFFF00, s11;
	s18 =	sadd.s32 $0x0, s9;
	s15 =	simm.s32 @!p1 $0x0  }
0x16: {  	s19 =	sadd.s32 $0x607F8, s18;
	s16 =	simm.s32 @!p1 $0x0;
	s15 =	sshll.u32 s15, $0xE  }
0x17: {  	s20 =	sadd.s32 $0x507F8, s18;
	s16 =	ssub.s32 s5, s16;
	s15 =	sadd.s32 $0x0, s15  }
0x18: {  	s23 =	sadd.s32 $0x407F8, s18;
	s16 =	sshll.u32 s16, $0x16;
	s15 =	sshra.s32 s15, $0x2  }
0x19: {  	s26 =	sadd.s32 $0x307F8, s18;
	s16 =	sadd.s32 s16, s10;
	s15 =	sadd.s32 s15, s9  }
0x1a: {  	s28 =	sadd.s32 $0x207F8, s18;
	s16 =	sshrl.u32 s16, $0x3;
	s15 =	sadd.s32 $0x707F8, s15  }
0x1b: {  	s19 =	sshrl.u32 s19, $0x3;
	s16 =	sadd.s32 s4, s16;
	s15 =	sshrl.u32 s15, $0x3  }
0x1c: {  	[hbm:s16], [sflag:s14] =	dma.local [spmem:s15], $0x100  }
0x1d: {  	[hbm:s21], [sflag:s14] =	dma.local [spmem:s19], $0x100  }
0x1e: {  	s18 =	sadd.s32 $0x107F8, s18;
	s16 =	sshrl.u32 s20, $0x3;
	s19 =	sshrl.u32 s23, $0x3  }
0x1f: {  	[hbm:s22], [sflag:s14] =	dma.local [spmem:s16], $0x100  }
0x20: {  	[hbm:s25], [sflag:s14] =	dma.local [spmem:s19], $0x100  }
0x21: {  	s18 =	sshrl.u32 s18, $0x3;
	s16 =	sshrl.u32 s26, $0x3;
	s19 =	sshrl.u32 s28, $0x3  }
0x22: {  	[hbm:s11], [sflag:s14] =	dma.local [spmem:s16], $0x100  }
0x23: {  	[hbm:s24], [sflag:s14] =	dma.local [spmem:s19], $0x100  }
0x24: {  	[hbm:s17], [sflag:s14] =	dma.local [spmem:s18], $0x100  }
0x25: {  	s29 =	rddreg [dreg:$0x5]  }
0x26: {  	s15 =	sadd.s32 s6, s29  }
0x27: {  	s15 =	sxor.u32 $0x7F8, s15  }
0x28: {  	s15 =	sadd.s32 s15, s2  }
0x29: {  	s30 =	sadd.s32 $0x300, s11;
	s15 =	sshrl.u32 s15, $0x3  }
0x2a: {  	[hbm:s30], [sflag:s14] =	dma.local [spmem:s15], $0x100  }
0x2b: {  	_ =	swait.ge [sflag:s13], $0x100  }
0x2c: {  	[sflag:s13] =	ssyncset.done $0x0  }
0x2d: {  	[sflag:s13] =	ssyncadd.s32 $0xFFFFFF00  }
0x2e: {  	_ =	swait.ge [sflag:s13], $0x100  }
0x2f: {  	[sflag:s13] =	ssyncset.done $0x0  }
0x30: {  	[sflag:s13] =	ssyncadd.s32 $0xFFFFFF00  }
0x31: {  	_ =	swait.ge [sflag:s13], $0x100  }
0x32: {  	[sflag:s13] =	ssyncset.done $0x0  }
0x33: {  	[sflag:s13] =	ssyncadd.s32 $0xFFFFFF00  }
0x34: {  	_ =	swait.ge [sflag:s13], $0x100  }
0x35: {  	[sflag:s13] =	ssyncset.done $0x0  }
0x36: {  	[sflag:s13] =	ssyncadd.s32 $0xFFFFFF00  }
0x37: {  	_ =	swait.ge [sflag:s13], $0x100  }
0x38: {  	p2 =	sne.s32 s7, $0xFFFFFFE0;
	s16 =	sadd.s32 $0x8, s6;
	[sflag:s13] =	ssyncset.done $0x0  }
0x39: {  	s21 =	simm.s32 $0xFFFFFFC0;
	s31 =	sor.u32 s5, s16;
	[sflag:s13] =	ssyncadd.s32 $0xFFFFFF00  }
0x3a: {  	s18 =	simm.s32 $0xFFFFFFE0;
	p3 =	seq.s32 s31, $0x0;
	_ =	swait.ge [sflag:s13], $0x100  }
0x3b: {  	s17 =	sadd.s32 $0x4000, s10;
	s15 =	sadd.s32 $0x800, s11;
	[sflag:s13] =	ssyncset.done $0x0  }
.LBB2_2:
0x3c: {  	p2 =	por !p2, !p3  }
0x3d: {  	[sflag:s13] =	ssyncadd.s32 $0xFFFFFF00;
	s20 =	smov.u32 s21;
	s19 =	sadd.s32 $0xFFFFFFE0, s21  }
0x3e: {  	p1 =	sne.s32 s21, $0xFFFFF020;
	s21 =	simm.s32 $0x1;
	s22 =	sadd.s32 $0x200, s15  }
0x3f: {  	s23 =	sadd.s32 $0x100, s15;
	s25 =	sshra.s32 s18, $0x2;
	s26 =	sadd.s32 $0xFFFFFE00, s15  }
0x40: {  	s28 =	sadd.s32 $0xFFFFFF00, s15;
	p2 =	por !p2, !p2;
	_ =	swait.ge [sflag:s13], $0x100  }
0x41: {  	s25 =	sadd.s32 s25, s9;
	s21 =	simm.s32 @!p2 $0x0;
	[sflag:s13] =	ssyncset.done $0x0  }
0x42: {  	s29 =	sadd.s32 $0x607F8, s25;
	s30 =	sadd.s32 $0x507F8, s25;
	[sflag:s13] =	ssyncadd.s32 $0xFFFFFF00  }
0x43: {  	s1 =	sadd.s32 $0x407F8, s25;
	s31 =	sadd.s32 $0x307F8, s25;
	_ =	swait.ge [sflag:s13], $0x100  }
0x44: {  	s21 =	ssub.s32 s5, s21;
	s29 =	sshrl.u32 s29, $0x3;
	s24 =	rddreg [dreg:$0x4]  }
0x45: {  	s31 =	sshrl.u32 s31, $0x3;
	s21 =	sshll.u32 s21, $0x16;
	s24 =	simm.s32 @!p2 $0x0  }
0x46: {  	s21 =	sadd.s32 s21, s17;
	[sflag:s13] =	ssyncset.done $0x0;
	s24 =	sshll.u32 s24, $0xE  }
0x47: {  	s21 =	sshrl.u32 s21, $0x3;
	[sflag:s13] =	ssyncadd.s32 $0xFFFFFF00;
	s0 =	sadd.s32 s24, s18  }
0x48: {  	s21 =	sadd.s32 s4, s21;
	s24 =	sshrl.u32 s30, $0x3;
	s18 =	sshra.s32 s0, $0x2  }
0x49: {  	s30 =	sshrl.u32 s1, $0x3;
	s1 =	sadd.s32 $0xFFFFFD00, s15;
	s18 =	sadd.s32 s18, s9  }
0x4a: {  	s0 =	sadd.s32 $0x207F8, s25;
	s25 =	sadd.s32 $0x107F8, s25;
	s18 =	sadd.s32 $0x707F8, s18  }
0x4b: {  	s0 =	sshrl.u32 s0, $0x3;
	s25 =	sshrl.u32 s25, $0x3;
	s18 =	sshrl.u32 s18, $0x3  }
0x4c: {  	[hbm:s21], [sflag:s14] =	dma.local [spmem:s18], $0x100  }
0x4d: {  	[hbm:s1], [sflag:s14] =	dma.local [spmem:s29], $0x100  }
0x4e: {  	[hbm:s26], [sflag:s14] =	dma.local [spmem:s24], $0x100  }
0x4f: {  	[hbm:s28], [sflag:s14] =	dma.local [spmem:s30], $0x100  }
0x50: {  	[hbm:s15], [sflag:s14] =	dma.local [spmem:s31], $0x100  }
0x51: {  	[hbm:s23], [sflag:s14] =	dma.local [spmem:s0], $0x100  }
0x52: {  	[hbm:s22], [sflag:s14] =	dma.local [spmem:s25], $0x100  }
0x53: {  	s29 =	rddreg [dreg:$0x5]  }
0x54: {  	s0 =	sadd.s32 s16, s29  }
0x55: {  	s0 =	sxor.u32 $0x7F8, s0  }
0x56: {  	s0 =	sadd.s32 s0, s2  }
0x57: {  	s30 =	sadd.s32 $0x300, s15;
	s0 =	sshrl.u32 s0, $0x3  }
0x58: {  	[hbm:s30], [sflag:s14] =	dma.local [spmem:s0], $0x100  }
0x59: {  	_ =	swait.ge [sflag:s13], $0x100  }
0x5a: {  	[sflag:s13] =	ssyncset.done $0x0  }
0x5b: {  	[sflag:s13] =	ssyncadd.s32 $0xFFFFFF00  }
0x5c: {  	_ =	swait.ge [sflag:s13], $0x100  }
0x5d: {  	[sflag:s13] =	ssyncset.done $0x0  }
0x5e: {  	[sflag:s13] =	ssyncadd.s32 $0xFFFFFF00  }
0x5f: {  	_ =	swait.ge [sflag:s13], $0x100  }
0x60: {  	[sflag:s13] =	ssyncset.done $0x0  }
0x61: {  	[sflag:s13] =	ssyncadd.s32 $0xFFFFFF00  }
0x62: {  	_ =	swait.ge [sflag:s13], $0x100  }
0x63: {  	[sflag:s13] =	ssyncset.done $0x0  }
0x64: {  	[sflag:s13] =	ssyncadd.s32 $0xFFFFFF00  }
.Ltmp0:
0x65: {  	_ =	swait.ge [sflag:s13], $0x100;
	(pc) =	sbr.rel @p1 .LBB2_2-.Ltmp0, $4  }
0x66: {  	s17 =	sadd.s32 $0x4000, s17;
	s18 =	smov.u32 s20;
	[sflag:s13] =	ssyncset.done $0x0  }
0x67: {  	s21 =	smov.u32 s19;
	s16 =	sadd.s32 $0x8, s16;
	[sflag:s13] =	ssyncadd.s32 $0xFFFFFF00  }
0x68: {  	p2 =	sne.s32 s7, s18;
	s31 =	sor.u32 s5, s16;
	_ =	swait.ge [sflag:s13], $0x100  }
0x69: {  	s15 =	sadd.s32 $0x800, s15;
	p3 =	seq.s32 s31, $0x0;
	[sflag:s13] =	ssyncset.done $0x0  }
0x6a: {  	p1 =	por !p2, !p3  }
0x6b: {  	[sflag:s13] =	ssyncadd.s32 $0xFFFFFF00;
	s0 =	simm.s32 $0x1;
	s1 =	sadd.s32 $0x200, s15  }
0x6c: {  	s19 =	sadd.s32 $0x100, s15;
	p1 =	por !p1, !p1;
	_ =	swait.ge [sflag:s13], $0x100  }
0x6d: {  	s29 =	sshra.s32 s18, $0x2;
	s0 =	simm.s32 @!p1 $0x0;
	[sflag:s13] =	ssyncset.done $0x0  }
0x6e: {  	s21 =	sadd.s32 $0xFFFFFE00, s15;
	s0 =	ssub.s32 s5, s0;
	[sflag:s13] =	ssyncadd.s32 $0xFFFFFF00  }
0x6f: {  	s22 =	sadd.s32 $0xFFFFFF00, s15;
	s0 =	sshll.u32 s0, $0x16;
	_ =	swait.ge [sflag:s13], $0x100  }
0x70: {  	s28 =	sadd.s32 $0xFFFFFD00, s15;
	s20 =	rddreg [dreg:$0x4];
	s0 =	sadd.s32 s0, s17  }
0x71: {  	[sflag:s13] =	ssyncset.done $0x0;
	s17 =	sadd.s32 s29, s9;
	s0 =	sshrl.u32 s0, $0x3  }
0x72: {  	[sflag:s13] =	ssyncadd.s32 $0xFFFFFF00;
	s20 =	simm.s32 @!p1 $0x0;
	s23 =	sadd.s32 $0x607F8, s17  }
0x73: {  	s24 =	sadd.s32 $0x507F8, s17;
	s29 =	sadd.s32 $0x407F8, s17;
	s20 =	sshll.u32 s20, $0xE  }
0x74: {  	s25 =	sadd.s32 $0x307F8, s17;
	s26 =	sadd.s32 $0x207F8, s17;
	s30 =	sadd.s32 s20, s18  }
0x75: {  	s17 =	sadd.s32 $0x107F8, s17;
	s0 =	sadd.s32 s4, s0;
	s18 =	sshra.s32 s30, $0x2  }
0x76: {  	s23 =	sshrl.u32 s23, $0x3;
	s31 =	sshrl.u32 s24, $0x3;
	s18 =	sadd.s32 s18, s9  }
0x77: {  	s24 =	sshrl.u32 s29, $0x3;
	s25 =	sshrl.u32 s25, $0x3;
	s18 =	sadd.s32 $0x707F8, s18  }
0x78: {  	s26 =	sshrl.u32 s26, $0x3;
	s17 =	sshrl.u32 s17, $0x3;
	s18 =	sshrl.u32 s18, $0x3  }
0x79: {  	[hbm:s0], [sflag:s14] =	dma.local [spmem:s18], $0x100  }
0x7a: {  	[hbm:s28], [sflag:s14] =	dma.local [spmem:s23], $0x100  }
0x7b: {  	[hbm:s21], [sflag:s14] =	dma.local [spmem:s31], $0x100  }
0x7c: {  	[hbm:s22], [sflag:s14] =	dma.local [spmem:s24], $0x100  }
0x7d: {  	[hbm:s15], [sflag:s14] =	dma.local [spmem:s25], $0x100  }
0x7e: {  	[hbm:s19], [sflag:s14] =	dma.local [spmem:s26], $0x100  }
0x7f: {  	[hbm:s1], [sflag:s14] =	dma.local [spmem:s17], $0x100  }
0x80: {  	s30 =	rddreg [dreg:$0x5]  }
0x81: {  	s0 =	sadd.s32 s16, s30  }
0x82: {  	s0 =	sxor.u32 $0x7F8, s0  }
0x83: {  	s0 =	sadd.s32 s0, s2  }
0x84: {  	s31 =	sadd.s32 $0x300, s15;
	s0 =	sshrl.u32 s0, $0x3  }
0x85: {  	[hbm:s31], [sflag:s14] =	dma.local [spmem:s0], $0x100  }
0x86: {  	_ =	swait.ge [sflag:s13], $0x100  }
0x87: {  	[sflag:s13] =	ssyncset.done $0x0  }
0x88: {  	[sflag:s13] =	ssyncadd.s32 $0xFFFFFF00  }
0x89: {  	_ =	swait.ge [sflag:s13], $0x100  }
0x8a: {  	[sflag:s13] =	ssyncset.done $0x0  }
0x8b: {  	[sflag:s13] =	ssyncadd.s32 $0xFFFFFF00  }
0x8c: {  	_ =	swait.ge [sflag:s13], $0x100  }
0x8d: {  	[sflag:s13] =	ssyncset.done $0x0  }
0x8e: {  	[sflag:s13] =	ssyncadd.s32 $0xFFFFFF00  }
0x8f: {  	_ =	swait.ge [sflag:s13], $0x100  }
0x90: {  	[sflag:s13] =	ssyncset.done $0x0  }
0x91: {  	[sflag:s13] =	ssyncadd.s32 $0xFFFFFF00  }
0x92: {  	_ =	swait.ge [sflag:s13], $0x100  }
0x93: {  	[sflag:s13] =	ssyncset.done $0x0  }
0x94: {  	[sflag:s13] =	ssyncadd.s32 $0xFFFFFF00  }
0x95: {  	_ =	swait.ge [sflag:s13], $0x100  }
0x96: {  	[sflag:s13] =	ssyncset.done $0x0  }
0x97: {  	s3 =	sadd.s32 $0x1, s3;
	[sflag:s13] =	ssyncadd.s32 $0xFFFFFF00  }
0x98: {  	p1 =	sne.s32 s3, s8;
	_ =	swait.ge [sflag:s13], $0x100  }
.Ltmp1:
0x99: {  	[sflag:s13] =	ssyncset.done $0x0;
	(pc) =	sbr.rel @p1 .LBB2_1-.Ltmp1, $4  }
0x9a: {  	[sflag:s13] =	ssyncadd.s32 $0xFFFFFF00  }
0x9b: {  	_ =	swait.ge [sflag:s13], $0x100  }
0x9c: {  	[sflag:s13] =	ssyncset.done $0x0  }
0x9d: {  	[sflag:s13] =	ssyncadd.s32 $0xFFFFFF00  }
0x9e: {  	_ =	sfence.sel $0x180000  }
0x9f: {  	[bflag:$0x0] =	sbarrier.arrive $0xFFFF  }
0xa0: {  	_ =	strace $0x90000047  }
0xa1: {  	[bflag:$0x2] =	sbarrier.arrive $0xFFFF  }
0xa2: {  	s0 =	rddreg [dreg:$0x3]  }
0xa3: {  	s0 =	sadd.s32 @!p0 $0x100000, s0  }
0xa4: {  	[sflag:s0] =	ssyncadd.tile.s32 @!p0 $0x1;
	_ =	shalt  }
.Lfunc_end2:
_tile_overlayer_lowered:
.L_overlay_start_2:
0xa5: {  	(tag) =	ssettag $0x2  }
0xa6: {  	s0 =	rddreg [dreg:$0x0];
	s2 =	stileid.u32  }
0xa7: {  	s1 =	rddreg [dreg:$0x1];
	p0 =	sne.s32 s2, $0x0  }
0xa8: {  	s3 =	rddreg [dreg:$0x2];
	[bflag:$0x3] =	sbarrier.arrive $0xFFFF;
	s2 =	simm.s32 @!p0 $0x1C02  }
0xa9: {  	[timem:s3], [sflag:s2] =	dma.local @!p0 [hbm:s0], s1  }
0xaa: {  	s0 =	simm.s32 @!p0 $0x2  }
0xab: {  	_ =	swait.ge @!p0 [sflag:s0], s1  }
0xac: {  	s1 =	ssub.s32 @!p0 $0x0, s1;
	[sflag:s0] =	ssyncset.done @!p0 $0x0  }
0xad: {  	[sflag:s0] =	ssyncadd.s32 @!p0 s1  }
0xae: {  	[bflag:$0x3] =	sbarrier.arrive $0xFFFF  }
0xaf: {  	_ =	shalt  }

</sc_bundles>
